<compile_context>
chip_gen: v7x
topology: tpu7x:2x2x1
jax: 0.10.2.dev20260603
libtpu: 0.0.44.dev20260713+nightly
codegen_flags: <defaults>
</compile_context>

<pallas_src>
import functools

import jax
import jax.numpy as jnp
from jax.experimental import pallas as pl

_K_TOP = 64
_RADII = (0.1, 0.2, 0.4)
_NSAMPLES = (16, 32, 128)


def _score_mlp_kernel(x_ref, w1_ref, b1_ref, w2_ref, b2_ref, w3_ref, b3_ref,
                      o_ref):
    x = x_ref[...]
    h = jnp.maximum(
        jax.lax.dot_general(x, w1_ref[...], (((1,), (1,)), ((), ())),
                            preferred_element_type=jnp.float32) + b1_ref[...],
        0.0)
    h = jnp.maximum(
        jax.lax.dot_general(h, w2_ref[...], (((1,), (1,)), ((), ())),
                            preferred_element_type=jnp.float32) + b2_ref[...],
        0.0)
    s = jax.lax.dot_general(h, w3_ref[...], (((1,), (1,)), ((), ())),
                            preferred_element_type=jnp.float32)
    o_ref[...] = s


def _score_mlp(features, fc):
    (w1, b1), (w2, b2), (w3, b3) = fc
    b_, n_, d_ = features.shape
    bn = 4096
    rows = b_ * n_
    flat = features.reshape(rows, d_)
    out = pl.pallas_call(
        _score_mlp_kernel,
        grid=(rows // bn,),
        in_specs=[
            pl.BlockSpec((bn, d_), lambda i: (i, 0)),
            pl.BlockSpec(w1.shape, lambda i: (0, 0)),
            pl.BlockSpec(b1.shape, lambda i: (0,)),
            pl.BlockSpec(w2.shape, lambda i: (0, 0)),
            pl.BlockSpec(b2.shape, lambda i: (0,)),
            pl.BlockSpec(w3.shape, lambda i: (0, 0)),
            pl.BlockSpec(b3.shape, lambda i: (0,)),
        ],
        out_specs=pl.BlockSpec((bn, 1), lambda i: (i, 0)),
        out_shape=jax.ShapeDtypeStruct((rows, 1), jnp.float32),
    )(flat, w1, b1, w2, b2, w3, b3)
    return out.reshape(b_, n_) + b3[0]


def _group_mlp_kernel(x_ref, w1_ref, b1_ref, w2_ref, b2_ref, w3_ref, b3_ref,
                      o_ref):
    x = x_ref[...]
    h = jnp.maximum(
        jax.lax.dot_general(x, w1_ref[...], (((1,), (1,)), ((), ())),
                            preferred_element_type=jnp.float32) + b1_ref[...],
        0.0)
    h = jnp.maximum(
        jax.lax.dot_general(h, w2_ref[...], (((1,), (1,)), ((), ())),
                            preferred_element_type=jnp.float32) + b2_ref[...],
        0.0)
    h = jnp.maximum(
        jax.lax.dot_general(h, w3_ref[...], (((1,), (1,)), ((), ())),
                            preferred_element_type=jnp.float32) + b3_ref[...],
        0.0)
    o_ref[...] = h


def _group_mlp(gp, layers):
    g_, ns, cin = gp.shape
    folded = []
    for w, b, gamma, beta in layers:
        folded.append((w * gamma[:, None], b * gamma + beta))
    (w1, b1), (w2, b2), (w3, b3) = folded
    cout = w3.shape[0]
    rows = g_ * ns
    br = 4096 if (rows % 4096 == 0) else rows
    h = pl.pallas_call(
        _group_mlp_kernel,
        grid=(rows // br,),
        in_specs=[
            pl.BlockSpec((br, cin), lambda i: (i, 0)),
            pl.BlockSpec(w1.shape, lambda i: (0, 0)),
            pl.BlockSpec(b1.shape, lambda i: (0,)),
            pl.BlockSpec(w2.shape, lambda i: (0, 0)),
            pl.BlockSpec(b2.shape, lambda i: (0,)),
            pl.BlockSpec(w3.shape, lambda i: (0, 0)),
            pl.BlockSpec(b3.shape, lambda i: (0,)),
        ],
        out_specs=pl.BlockSpec((br, cout), lambda i: (i, 0)),
        out_shape=jax.ShapeDtypeStruct((rows, cout), jnp.float32),
    )(gp.reshape(rows, cin), w1, b1, w2, b2, w3, b3)
    return jnp.max(h.reshape(g_, ns, cout), axis=1)


def _index_points(pts, idx):
    return jax.vmap(lambda p, i: p[i])(pts, idx)


def kernel(points, features, params):
    b_, n_, _ = points.shape
    score = features
    for j, (w, b) in enumerate(params["fc"]):
        score = score @ w.T + b
        if j < 2:
            score = jax.nn.relu(score)
    score = score[..., 0]
    _, topk_idx = jax.lax.top_k(score, _K_TOP)
    xyz = points[..., :3]
    new_xyz = _index_points(xyz, topk_idx)

    sqrd = (jnp.sum(new_xyz * new_xyz, -1, keepdims=True)
            - 2.0 * jnp.einsum('bsc,bnc->bsn', new_xyz, xyz)
            + jnp.sum(xyz * xyz, -1)[:, None, :])

    iota = jnp.broadcast_to(jnp.arange(n_), sqrd.shape)
    feats = []
    for radius, ns, layers in zip(_RADII, _NSAMPLES, params["sa"]):
        grp = jnp.where(sqrd > radius * radius, n_, iota)
        grp = jnp.sort(grp, axis=-1)[:, :, :ns]
        first = grp[:, :, :1]
        grp = jnp.where(grp == n_, jnp.broadcast_to(first, grp.shape), grp)
        gxyz = _index_points(xyz, grp) - new_xyz[:, :, None, :]
        gfeat = _index_points(features, grp)
        gp = jnp.concatenate([gfeat, gxyz], axis=-1)
        cin = gp.shape[-1]
        out = _group_mlp(gp.reshape(b_ * _K_TOP, ns, cin), layers)
        feats.append(out.reshape(b_, _K_TOP, -1))
    features_abs = jnp.concatenate(feats, axis=-1)

    x = features_abs
    n_layers = len(params["agg"])
    for j, (w, b) in enumerate(params["agg"]):
        x = x @ w.T + b
        if j < n_layers - 1:
            x = jax.nn.relu(x)
    sc_g = jnp.take_along_axis(score[..., None], topk_idx[:, :, None], axis=1)
    pts_g = _index_points(points, topk_idx)
    return jnp.concatenate([x, sc_g, pts_g], axis=-1)

# --- scband reference (transcript-rebuilt; emitter-appended) ---
"""Pipeline reference for scband-sort-net-48112223650043 (READ-ONLY COPY).

The authoritative reference and input builder live on the scoring server;
editing this copy changes nothing except your own understanding.
"""

import jax, jax.numpy as jnp
import numpy as np

D_MODEL = 128
D_POINTS = 6
K_TOP = 64
RADII = [0.1, 0.2, 0.4]
NSAMPLES = [16, 32, 128]
MLPS = [[32, 32, 64], [64, 64, 128], [64, 96, 128]]
B, N = 16, 16384


def _linear(key, cin, cout):
    k1, k2 = jax.random.split(key)
    s = 1.0 / np.sqrt(cin)
    W = jax.random.uniform(k1, (cout, cin), minval=-s, maxval=s, dtype=jnp.float32)
    b = jax.random.uniform(k2, (cout,), minval=-s, maxval=s, dtype=jnp.float32)
    return W, b


def setup_inputs(seed: int = 0) -> dict:
    key = jax.random.key(seed)
    ks = jax.random.split(key, 32)
    points = jax.random.uniform(ks[0], (B, N, D_POINTS), dtype=jnp.float32)
    features = jax.random.normal(ks[1], (B, N, D_MODEL), dtype=jnp.float32)
    i = 2
    fc = []
    for cin, cout in [(D_MODEL, 256), (256, 64), (64, 1)]:
        fc.append(_linear(ks[i], cin, cout)); i += 1
    sa = []
    for mlp in MLPS:
        cin = D_MODEL + 3
        layers = []
        for cout in mlp:
            W, b = _linear(ks[i], cin, cout); i += 1
            layers.append((W, b, jnp.ones((cout,), jnp.float32), jnp.zeros((cout,), jnp.float32)))
            cin = cout
        sa.append(layers)
    agg = []
    for cin, cout in [(64 + 128 + 128, 256), (256, 256), (256, D_MODEL - 1 - D_POINTS)]:
        agg.append(_linear(ks[i], cin, cout)); i += 1
    params = {"fc": fc, "sa": sa, "agg": agg}
    return {"points": points, "features": features, "params": params}


def index_points(pts, idx):
    # pts: [B, N, C], idx: [B, ...] -> [B, ..., C]
    return jax.vmap(lambda p, i: p[i])(pts, idx)


def square_distance(a, b):
    # a: [B, S, 3], b: [B, N, 3] -> [B, S, N]
    return (jnp.sum(a * a, -1, keepdims=True)
            - 2.0 * jnp.einsum('bsc,bnc->bsn', a, b)
            + jnp.sum(b * b, -1)[:, None, :])


def query_ball_point(radius, nsample, xyz, new_xyz):
    b_, n_, _ = xyz.shape
    s_ = new_xyz.shape[1]
    sqrd = square_distance(new_xyz, xyz)
    grp = jnp.broadcast_to(jnp.arange(n_), (b_, s_, n_))
    grp = jnp.where(sqrd > radius * radius, n_, grp)
    grp = jnp.sort(grp, axis=-1)[:, :, :nsample]
    first = grp[:, :, :1]
    grp = jnp.where(grp == n_, jnp.broadcast_to(first, grp.shape), grp)
    return grp


def linear_seq(layers, x):
    n_ = len(layers)
    for j, (W, b) in enumerate(layers):
        x = x @ W.T + b
        if j < n_ - 1:
            x = jax.nn.relu(x)
    return x


def mlp_apply(layers, x):
    # Conv2d(1x1) + BatchNorm(eval: running_mean=0, running_var=1, affine gamma/beta) + ReLU
    for W, b, g, bt in layers:
        x = x @ W.T + b
        x = x * g + bt
        x = jax.nn.relu(x)
    return x


def _forward(points, features, params):
    score = linear_seq(params["fc"], features)              # [B, N, 1]
    _, topk_idx = jax.lax.top_k(score[..., 0], K_TOP)       # [B, k]
    xyz = points[..., :3]
    new_xyz = index_points(xyz, topk_idx)                   # [B, k, 3]
    feats = []
    for radius, nsample, layers in zip(RADII, NSAMPLES, params["sa"]):
        grp = query_ball_point(radius, nsample, xyz, new_xyz)   # [B, k, ns]
        gxyz = index_points(xyz, grp) - new_xyz[:, :, None, :]  # [B, k, ns, 3]
        gfeat = index_points(features, grp)                     # [B, k, ns, d_model]
        gp = jnp.concatenate([gfeat, gxyz], axis=-1)
        gp = mlp_apply(layers, gp)
        feats.append(jnp.max(gp, axis=2))                       # max over ns
    features_abs = jnp.concatenate(feats, axis=-1)              # [B, k, 320]
    agg = linear_seq(params["agg"], features_abs)               # [B, k, d_model-1-d_points]
    sc_g = jnp.take_along_axis(score, topk_idx[:, :, None], axis=1)  # [B, k, 1]
    pts_g = index_points(points, topk_idx)                      # [B, k, d_points]
    return jnp.concatenate([agg, sc_g, pts_g], axis=-1)         # [B, k, d_model]


def reference(points, features, params):
    return _forward(points, features, params)

if __name__ == "__main__":
    import jax
    _d = setup_inputs()
    print(jax.jit(kernel)(*tuple(_d.values())))

</pallas_src>

<mosaic_0001>
module attributes {stable_mosaic.version = 14 : i64} {
  func.func @_group_mlp_kernel(%arg0: i32, %arg1: memref<4096x131xf32, #tpu.memory_space<vmem>>, %arg2: memref<32x131xf32, #tpu.memory_space<vmem>>, %arg3: memref<32xf32, #tpu.memory_space<vmem>>, %arg4: memref<32x32xf32, #tpu.memory_space<vmem>>, %arg5: memref<32xf32, #tpu.memory_space<vmem>>, %arg6: memref<64x32xf32, #tpu.memory_space<vmem>>, %arg7: memref<64xf32, #tpu.memory_space<vmem>>, %arg8: memref<4096x64xf32, #tpu.memory_space<vmem>>) attributes {dimension_semantics = [#tpu.dimension_semantics<arbitrary>], iteration_bounds = array<i64: 4>, scalar_prefetch = 0 : i64, scratch_operands = 0 : i64, tpu.core_type = #tpu.core_type<tc>, window_params = [{transform_indices = @transform_0, window_bounds = array<i64: 4096, 131>}, {pipeline_mode = #tpu.pipeline_mode<synchronous>, transform_indices = @transform_1, window_bounds = array<i64: 32, 131>}, {pipeline_mode = #tpu.pipeline_mode<synchronous>, transform_indices = @transform_2, window_bounds = array<i64: 32>}, {pipeline_mode = #tpu.pipeline_mode<synchronous>, transform_indices = @transform_3, window_bounds = array<i64: 32, 32>}, {pipeline_mode = #tpu.pipeline_mode<synchronous>, transform_indices = @transform_4, window_bounds = array<i64: 32>}, {pipeline_mode = #tpu.pipeline_mode<synchronous>, transform_indices = @transform_5, window_bounds = array<i64: 64, 32>}, {pipeline_mode = #tpu.pipeline_mode<synchronous>, transform_indices = @transform_6, window_bounds = array<i64: 64>}, {transform_indices = @transform_7, window_bounds = array<i64: 4096, 64>}]} {
    %get3A = arith.constant 0 : index
    %get3A_0 = arith.constant 0 : index
    %get3A_1 = vector.load %arg1[%get3A, %get3A_0] : memref<4096x131xf32, #tpu.memory_space<vmem>>, vector<4096x131xf32>
    %get3A_2 = arith.constant 0 : index
    %get3A_3 = arith.constant 0 : index
    %get3A_4 = vector.load %arg2[%get3A_2, %get3A_3] : memref<32x131xf32, #tpu.memory_space<vmem>>, vector<32x131xf32>
    %dot_general3A = arith.constant dense<0.000000e+00> : vector<4096x32xf32>
    %dot_general3A_5 = tpu.matmul %get3A_1, %get3A_4, %dot_general3A {dimension_numbers = #tpu.dot_dimension_numbers<[1], [1], [0], [0], [0, 0, 1, 0], [], []>, transpose_lhs_hint = false} : vector<4096x131xf32>, vector<32x131xf32>, vector<4096x32xf32> -> vector<4096x32xf32>
    %get3A_6 = arith.constant 0 : index
    %get3A_7 = vector.load %arg3[%get3A_6] : memref<32xf32, #tpu.memory_space<vmem>>, vector<32xf32>
    %broadcast_in_dim3A = vector.shape_cast %get3A_7 : vector<32xf32> to vector<1x32xf32>
    %add3A = vector.broadcast %broadcast_in_dim3A : vector<1x32xf32> to vector<4096x32xf32>
    %add3A_8 = arith.addf %dot_general3A_5, %add3A : vector<4096x32xf32>
    %max3A = arith.constant 0.000000e+00 : f32
    %max3A_9 = vector.broadcast %max3A : f32 to vector<4096x32xf32>
    %max3A_10 = arith.maximumf %add3A_8, %max3A_9 : vector<4096x32xf32>
    %get3A_11 = arith.constant 0 : index
    %get3A_12 = arith.constant 0 : index
    %get3A_13 = vector.load %arg4[%get3A_11, %get3A_12] : memref<32x32xf32, #tpu.memory_space<vmem>>, vector<32x32xf32>
    %dot_general3A_14 = arith.constant dense<0.000000e+00> : vector<4096x32xf32>
    %dot_general3A_15 = tpu.matmul %max3A_10, %get3A_13, %dot_general3A_14 {dimension_numbers = #tpu.dot_dimension_numbers<[1], [1], [0], [0], [0, 0, 1, 0], [], []>, transpose_lhs_hint = false} : vector<4096x32xf32>, vector<32x32xf32>, vector<4096x32xf32> -> vector<4096x32xf32>
    %get3A_16 = arith.constant 0 : index
    %get3A_17 = vector.load %arg5[%get3A_16] : memref<32xf32, #tpu.memory_space<vmem>>, vector<32xf32>
    %broadcast_in_dim3A_18 = vector.shape_cast %get3A_17 : vector<32xf32> to vector<1x32xf32>
    %add3A_19 = vector.broadcast %broadcast_in_dim3A_18 : vector<1x32xf32> to vector<4096x32xf32>
    %add3A_20 = arith.addf %dot_general3A_15, %add3A_19 : vector<4096x32xf32>
    %max3A_21 = arith.constant 0.000000e+00 : f32
    %max3A_22 = vector.broadcast %max3A_21 : f32 to vector<4096x32xf32>
    %max3A_23 = arith.maximumf %add3A_20, %max3A_22 : vector<4096x32xf32>
    %get3A_24 = arith.constant 0 : index
    %get3A_25 = arith.constant 0 : index
    %get3A_26 = vector.load %arg6[%get3A_24, %get3A_25] : memref<64x32xf32, #tpu.memory_space<vmem>>, vector<64x32xf32>
    %dot_general3A_27 = arith.constant dense<0.000000e+00> : vector<4096x64xf32>
    %dot_general3A_28 = tpu.matmul %max3A_23, %get3A_26, %dot_general3A_27 {dimension_numbers = #tpu.dot_dimension_numbers<[1], [1], [0], [0], [0, 0, 1, 0], [], []>, transpose_lhs_hint = false} : vector<4096x32xf32>, vector<64x32xf32>, vector<4096x64xf32> -> vector<4096x64xf32>
    %get3A_29 = arith.constant 0 : index
    %get3A_30 = vector.load %arg7[%get3A_29] : memref<64xf32, #tpu.memory_space<vmem>>, vector<64xf32>
    %broadcast_in_dim3A_31 = vector.shape_cast %get3A_30 : vector<64xf32> to vector<1x64xf32>
    %add3A_32 = vector.broadcast %broadcast_in_dim3A_31 : vector<1x64xf32> to vector<4096x64xf32>
    %add3A_33 = arith.addf %dot_general3A_28, %add3A_32 : vector<4096x64xf32>
    %max3A_34 = arith.constant 0.000000e+00 : f32
    %max3A_35 = vector.broadcast %max3A_34 : f32 to vector<4096x64xf32>
    %max3A_36 = arith.maximumf %add3A_33, %max3A_35 : vector<4096x64xf32>
    %swap3A = arith.constant 0 : index
    %swap3A_37 = arith.constant 0 : index
    %swap3A_38 = vector.load %arg8[%swap3A, %swap3A_37] : memref<4096x64xf32, #tpu.memory_space<vmem>>, vector<4096x64xf32>
    tpu.vector_store %arg8[%swap3A, %swap3A_37], %max3A_36 {strides = array<i32>} : memref<4096x64xf32, #tpu.memory_space<vmem>>, vector<4096x64xf32>,
    return
  }
  func.func @transform_0(%arg0: i32) -> (i32, i32) {
    %c0_i32 = arith.constant 0 : i32
    %c0_i32_0 = arith.constant 0 : i32
    return %arg0, %c0_i32 : i32, i32
  }
  func.func @transform_1(%arg0: i32) -> (i32, i32) {
    %c0_i32 = arith.constant 0 : i32
    %c0_i32_0 = arith.constant 0 : i32
    %c0_i32_1 = arith.constant 0 : i32
    return %c0_i32, %c0_i32_0 : i32, i32
  }
  func.func @transform_2(%arg0: i32) -> i32 {
    %c0_i32 = arith.constant 0 : i32
    %c0_i32_0 = arith.constant 0 : i32
    return %c0_i32 : i32
  }
  func.func @transform_3(%arg0: i32) -> (i32, i32) {
    %c0_i32 = arith.constant 0 : i32
    %c0_i32_0 = arith.constant 0 : i32
    %c0_i32_1 = arith.constant 0 : i32
    return %c0_i32, %c0_i32_0 : i32, i32
  }
  func.func @transform_4(%arg0: i32) -> i32 {
    %c0_i32 = arith.constant 0 : i32
    %c0_i32_0 = arith.constant 0 : i32
    return %c0_i32 : i32
  }
  func.func @transform_5(%arg0: i32) -> (i32, i32) {
    %c0_i32 = arith.constant 0 : i32
    %c0_i32_0 = arith.constant 0 : i32
    %c0_i32_1 = arith.constant 0 : i32
    return %c0_i32, %c0_i32_0 : i32, i32
  }
  func.func @transform_6(%arg0: i32) -> i32 {
    %c0_i32 = arith.constant 0 : i32
    %c0_i32_0 = arith.constant 0 : i32
    return %c0_i32 : i32
  }
  func.func @transform_7(%arg0: i32) -> (i32, i32) {
    %c0_i32 = arith.constant 0 : i32
    %c0_i32_0 = arith.constant 0 : i32
    return %arg0, %c0_i32 : i32, i32
  }
}

module attributes {stable_mosaic.version = 14 : i64} {
  func.func @_group_mlp_kernel(%arg0: i32, %arg1: memref<4096x131xf32, #tpu.memory_space<vmem>>, %arg2: memref<64x131xf32, #tpu.memory_space<vmem>>, %arg3: memref<64xf32, #tpu.memory_space<vmem>>, %arg4: memref<64x64xf32, #tpu.memory_space<vmem>>, %arg5: memref<64xf32, #tpu.memory_space<vmem>>, %arg6: memref<128x64xf32, #tpu.memory_space<vmem>>, %arg7: memref<128xf32, #tpu.memory_space<vmem>>, %arg8: memref<4096x128xf32, #tpu.memory_space<vmem>>) attributes {dimension_semantics = [#tpu.dimension_semantics<arbitrary>], iteration_bounds = array<i64: 8>, scalar_prefetch = 0 : i64, scratch_operands = 0 : i64, tpu.core_type = #tpu.core_type<tc>, window_params = [{transform_indices = @transform_0, window_bounds = array<i64: 4096, 131>}, {pipeline_mode = #tpu.pipeline_mode<synchronous>, transform_indices = @transform_1, window_bounds = array<i64: 64, 131>}, {pipeline_mode = #tpu.pipeline_mode<synchronous>, transform_indices = @transform_2, window_bounds = array<i64: 64>}, {pipeline_mode = #tpu.pipeline_mode<synchronous>, transform_indices = @transform_3, window_bounds = array<i64: 64, 64>}, {pipeline_mode = #tpu.pipeline_mode<synchronous>, transform_indices = @transform_4, window_bounds = array<i64: 64>}, {pipeline_mode = #tpu.pipeline_mode<synchronous>, transform_indices = @transform_5, window_bounds = array<i64: 128, 64>}, {pipeline_mode = #tpu.pipeline_mode<synchronous>, transform_indices = @transform_6, window_bounds = array<i64: 128>}, {transform_indices = @transform_7, window_bounds = array<i64: 4096, 128>}]} {
    %get3A = arith.constant 0 : index
    %get3A_0 = arith.constant 0 : index
    %get3A_1 = vector.load %arg1[%get3A, %get3A_0] : memref<4096x131xf32, #tpu.memory_space<vmem>>, vector<4096x131xf32>
    %get3A_2 = arith.constant 0 : index
    %get3A_3 = arith.constant 0 : index
    %get3A_4 = vector.load %arg2[%get3A_2, %get3A_3] : memref<64x131xf32, #tpu.memory_space<vmem>>, vector<64x131xf32>
    %dot_general3A = arith.constant dense<0.000000e+00> : vector<4096x64xf32>
    %dot_general3A_5 = tpu.matmul %get3A_1, %get3A_4, %dot_general3A {dimension_numbers = #tpu.dot_dimension_numbers<[1], [1], [0], [0], [0, 0, 1, 0], [], []>, transpose_lhs_hint = false} : vector<4096x131xf32>, vector<64x131xf32>, vector<4096x64xf32> -> vector<4096x64xf32>
    %get3A_6 = arith.constant 0 : index
    %get3A_7 = vector.load %arg3[%get3A_6] : memref<64xf32, #tpu.memory_space<vmem>>, vector<64xf32>
    %broadcast_in_dim3A = vector.shape_cast %get3A_7 : vector<64xf32> to vector<1x64xf32>
    %add3A = vector.broadcast %broadcast_in_dim3A : vector<1x64xf32> to vector<4096x64xf32>
    %add3A_8 = arith.addf %dot_general3A_5, %add3A : vector<4096x64xf32>
    %max3A = arith.constant 0.000000e+00 : f32
    %max3A_9 = vector.broadcast %max3A : f32 to vector<4096x64xf32>
    %max3A_10 = arith.maximumf %add3A_8, %max3A_9 : vector<4096x64xf32>
    %get3A_11 = arith.constant 0 : index
    %get3A_12 = arith.constant 0 : index
    %get3A_13 = vector.load %arg4[%get3A_11, %get3A_12] : memref<64x64xf32, #tpu.memory_space<vmem>>, vector<64x64xf32>
    %dot_general3A_14 = arith.constant dense<0.000000e+00> : vector<4096x64xf32>
    %dot_general3A_15 = tpu.matmul %max3A_10, %get3A_13, %dot_general3A_14 {dimension_numbers = #tpu.dot_dimension_numbers<[1], [1], [0], [0], [0, 0, 1, 0], [], []>, transpose_lhs_hint = false} : vector<4096x64xf32>, vector<64x64xf32>, vector<4096x64xf32> -> vector<4096x64xf32>
    %get3A_16 = arith.constant 0 : index
    %get3A_17 = vector.load %arg5[%get3A_16] : memref<64xf32, #tpu.memory_space<vmem>>, vector<64xf32>
    %broadcast_in_dim3A_18 = vector.shape_cast %get3A_17 : vector<64xf32> to vector<1x64xf32>
    %add3A_19 = vector.broadcast %broadcast_in_dim3A_18 : vector<1x64xf32> to vector<4096x64xf32>
    %add3A_20 = arith.addf %dot_general3A_15, %add3A_19 : vector<4096x64xf32>
    %max3A_21 = arith.constant 0.000000e+00 : f32
    %max3A_22 = vector.broadcast %max3A_21 : f32 to vector<4096x64xf32>
    %max3A_23 = arith.maximumf %add3A_20, %max3A_22 : vector<4096x64xf32>
    %get3A_24 = arith.constant 0 : index
    %get3A_25 = arith.constant 0 : index
    %get3A_26 = vector.load %arg6[%get3A_24, %get3A_25] : memref<128x64xf32, #tpu.memory_space<vmem>>, vector<128x64xf32>
    %dot_general3A_27 = arith.constant dense<0.000000e+00> : vector<4096x128xf32>
    %dot_general3A_28 = tpu.matmul %max3A_23, %get3A_26, %dot_general3A_27 {dimension_numbers = #tpu.dot_dimension_numbers<[1], [1], [0], [0], [0, 0, 1, 0], [], []>, transpose_lhs_hint = false} : vector<4096x64xf32>, vector<128x64xf32>, vector<4096x128xf32> -> vector<4096x128xf32>
    %get3A_29 = arith.constant 0 : index
    %get3A_30 = vector.load %arg7[%get3A_29] : memref<128xf32, #tpu.memory_space<vmem>>, vector<128xf32>
    %broadcast_in_dim3A_31 = vector.shape_cast %get3A_30 : vector<128xf32> to vector<1x128xf32>
    %add3A_32 = vector.broadcast %broadcast_in_dim3A_31 : vector<1x128xf32> to vector<4096x128xf32>
    %add3A_33 = arith.addf %dot_general3A_28, %add3A_32 : vector<4096x128xf32>
    %max3A_34 = arith.constant 0.000000e+00 : f32
    %max3A_35 = vector.broadcast %max3A_34 : f32 to vector<4096x128xf32>
    %max3A_36 = arith.maximumf %add3A_33, %max3A_35 : vector<4096x128xf32>
    %swap3A = arith.constant 0 : index
    %swap3A_37 = arith.constant 0 : index
    %swap3A_38 = vector.load %arg8[%swap3A, %swap3A_37] : memref<4096x128xf32, #tpu.memory_space<vmem>>, vector<4096x128xf32>
    tpu.vector_store %arg8[%swap3A, %swap3A_37], %max3A_36 {strides = array<i32>} : memref<4096x128xf32, #tpu.memory_space<vmem>>, vector<4096x128xf32>,
    return
  }
  func.func @transform_0(%arg0: i32) -> (i32, i32) {
    %c0_i32 = arith.constant 0 : i32
    %c0_i32_0 = arith.constant 0 : i32
    return %arg0, %c0_i32 : i32, i32
  }
  func.func @transform_1(%arg0: i32) -> (i32, i32) {
    %c0_i32 = arith.constant 0 : i32
    %c0_i32_0 = arith.constant 0 : i32
    %c0_i32_1 = arith.constant 0 : i32
    return %c0_i32, %c0_i32_0 : i32, i32
  }
  func.func @transform_2(%arg0: i32) -> i32 {
    %c0_i32 = arith.constant 0 : i32
    %c0_i32_0 = arith.constant 0 : i32
    return %c0_i32 : i32
  }
  func.func @transform_3(%arg0: i32) -> (i32, i32) {
    %c0_i32 = arith.constant 0 : i32
    %c0_i32_0 = arith.constant 0 : i32
    %c0_i32_1 = arith.constant 0 : i32
    return %c0_i32, %c0_i32_0 : i32, i32
  }
  func.func @transform_4(%arg0: i32) -> i32 {
    %c0_i32 = arith.constant 0 : i32
    %c0_i32_0 = arith.constant 0 : i32
    return %c0_i32 : i32
  }
  func.func @transform_5(%arg0: i32) -> (i32, i32) {
    %c0_i32 = arith.constant 0 : i32
    %c0_i32_0 = arith.constant 0 : i32
    %c0_i32_1 = arith.constant 0 : i32
    return %c0_i32, %c0_i32_0 : i32, i32
  }
  func.func @transform_6(%arg0: i32) -> i32 {
    %c0_i32 = arith.constant 0 : i32
    %c0_i32_0 = arith.constant 0 : i32
    return %c0_i32 : i32
  }
  func.func @transform_7(%arg0: i32) -> (i32, i32) {
    %c0_i32 = arith.constant 0 : i32
    %c0_i32_0 = arith.constant 0 : i32
    return %arg0, %c0_i32 : i32, i32
  }
}

module attributes {stable_mosaic.version = 14 : i64} {
  func.func @_group_mlp_kernel(%arg0: i32, %arg1: memref<4096x131xf32, #tpu.memory_space<vmem>>, %arg2: memref<64x131xf32, #tpu.memory_space<vmem>>, %arg3: memref<64xf32, #tpu.memory_space<vmem>>, %arg4: memref<96x64xf32, #tpu.memory_space<vmem>>, %arg5: memref<96xf32, #tpu.memory_space<vmem>>, %arg6: memref<128x96xf32, #tpu.memory_space<vmem>>, %arg7: memref<128xf32, #tpu.memory_space<vmem>>, %arg8: memref<4096x128xf32, #tpu.memory_space<vmem>>) attributes {dimension_semantics = [#tpu.dimension_semantics<arbitrary>], iteration_bounds = array<i64: 32>, scalar_prefetch = 0 : i64, scratch_operands = 0 : i64, tpu.core_type = #tpu.core_type<tc>, window_params = [{transform_indices = @transform_0, window_bounds = array<i64: 4096, 131>}, {pipeline_mode = #tpu.pipeline_mode<synchronous>, transform_indices = @transform_1, window_bounds = array<i64: 64, 131>}, {pipeline_mode = #tpu.pipeline_mode<synchronous>, transform_indices = @transform_2, window_bounds = array<i64: 64>}, {pipeline_mode = #tpu.pipeline_mode<synchronous>, transform_indices = @transform_3, window_bounds = array<i64: 96, 64>}, {pipeline_mode = #tpu.pipeline_mode<synchronous>, transform_indices = @transform_4, window_bounds = array<i64: 96>}, {pipeline_mode = #tpu.pipeline_mode<synchronous>, transform_indices = @transform_5, window_bounds = array<i64: 128, 96>}, {pipeline_mode = #tpu.pipeline_mode<synchronous>, transform_indices = @transform_6, window_bounds = array<i64: 128>}, {transform_indices = @transform_7, window_bounds = array<i64: 4096, 128>}]} {
    %get3A = arith.constant 0 : index
    %get3A_0 = arith.constant 0 : index
    %get3A_1 = vector.load %arg1[%get3A, %get3A_0] : memref<4096x131xf32, #tpu.memory_space<vmem>>, vector<4096x131xf32>
    %get3A_2 = arith.constant 0 : index
    %get3A_3 = arith.constant 0 : index
    %get3A_4 = vector.load %arg2[%get3A_2, %get3A_3] : memref<64x131xf32, #tpu.memory_space<vmem>>, vector<64x131xf32>
    %dot_general3A = arith.constant dense<0.000000e+00> : vector<4096x64xf32>
    %dot_general3A_5 = tpu.matmul %get3A_1, %get3A_4, %dot_general3A {dimension_numbers = #tpu.dot_dimension_numbers<[1], [1], [0], [0], [0, 0, 1, 0], [], []>, transpose_lhs_hint = false} : vector<4096x131xf32>, vector<64x131xf32>, vector<4096x64xf32> -> vector<4096x64xf32>
    %get3A_6 = arith.constant 0 : index
    %get3A_7 = vector.load %arg3[%get3A_6] : memref<64xf32, #tpu.memory_space<vmem>>, vector<64xf32>
    %broadcast_in_dim3A = vector.shape_cast %get3A_7 : vector<64xf32> to vector<1x64xf32>
    %add3A = vector.broadcast %broadcast_in_dim3A : vector<1x64xf32> to vector<4096x64xf32>
    %add3A_8 = arith.addf %dot_general3A_5, %add3A : vector<4096x64xf32>
    %max3A = arith.constant 0.000000e+00 : f32
    %max3A_9 = vector.broadcast %max3A : f32 to vector<4096x64xf32>
    %max3A_10 = arith.maximumf %add3A_8, %max3A_9 : vector<4096x64xf32>
    %get3A_11 = arith.constant 0 : index
    %get3A_12 = arith.constant 0 : index
    %get3A_13 = vector.load %arg4[%get3A_11, %get3A_12] : memref<96x64xf32, #tpu.memory_space<vmem>>, vector<96x64xf32>
    %dot_general3A_14 = arith.constant dense<0.000000e+00> : vector<4096x96xf32>
    %dot_general3A_15 = tpu.matmul %max3A_10, %get3A_13, %dot_general3A_14 {dimension_numbers = #tpu.dot_dimension_numbers<[1], [1], [0], [0], [0, 0, 1, 0], [], []>, transpose_lhs_hint = false} : vector<4096x64xf32>, vector<96x64xf32>, vector<4096x96xf32> -> vector<4096x96xf32>
    %get3A_16 = arith.constant 0 : index
    %get3A_17 = vector.load %arg5[%get3A_16] : memref<96xf32, #tpu.memory_space<vmem>>, vector<96xf32>
    %broadcast_in_dim3A_18 = vector.shape_cast %get3A_17 : vector<96xf32> to vector<1x96xf32>
    %add3A_19 = vector.broadcast %broadcast_in_dim3A_18 : vector<1x96xf32> to vector<4096x96xf32>
    %add3A_20 = arith.addf %dot_general3A_15, %add3A_19 : vector<4096x96xf32>
    %max3A_21 = arith.constant 0.000000e+00 : f32
    %max3A_22 = vector.broadcast %max3A_21 : f32 to vector<4096x96xf32>
    %max3A_23 = arith.maximumf %add3A_20, %max3A_22 : vector<4096x96xf32>
    %get3A_24 = arith.constant 0 : index
    %get3A_25 = arith.constant 0 : index
    %get3A_26 = vector.load %arg6[%get3A_24, %get3A_25] : memref<128x96xf32, #tpu.memory_space<vmem>>, vector<128x96xf32>
    %dot_general3A_27 = arith.constant dense<0.000000e+00> : vector<4096x128xf32>
    %dot_general3A_28 = tpu.matmul %max3A_23, %get3A_26, %dot_general3A_27 {dimension_numbers = #tpu.dot_dimension_numbers<[1], [1], [0], [0], [0, 0, 1, 0], [], []>, transpose_lhs_hint = false} : vector<4096x96xf32>, vector<128x96xf32>, vector<4096x128xf32> -> vector<4096x128xf32>
    %get3A_29 = arith.constant 0 : index
    %get3A_30 = vector.load %arg7[%get3A_29] : memref<128xf32, #tpu.memory_space<vmem>>, vector<128xf32>
    %broadcast_in_dim3A_31 = vector.shape_cast %get3A_30 : vector<128xf32> to vector<1x128xf32>
    %add3A_32 = vector.broadcast %broadcast_in_dim3A_31 : vector<1x128xf32> to vector<4096x128xf32>
    %add3A_33 = arith.addf %dot_general3A_28, %add3A_32 : vector<4096x128xf32>
    %max3A_34 = arith.constant 0.000000e+00 : f32
    %max3A_35 = vector.broadcast %max3A_34 : f32 to vector<4096x128xf32>
    %max3A_36 = arith.maximumf %add3A_33, %max3A_35 : vector<4096x128xf32>
    %swap3A = arith.constant 0 : index
    %swap3A_37 = arith.constant 0 : index
    %swap3A_38 = vector.load %arg8[%swap3A, %swap3A_37] : memref<4096x128xf32, #tpu.memory_space<vmem>>, vector<4096x128xf32>
    tpu.vector_store %arg8[%swap3A, %swap3A_37], %max3A_36 {strides = array<i32>} : memref<4096x128xf32, #tpu.memory_space<vmem>>, vector<4096x128xf32>,
    return
  }
  func.func @transform_0(%arg0: i32) -> (i32, i32) {
    %c0_i32 = arith.constant 0 : i32
    %c0_i32_0 = arith.constant 0 : i32
    return %arg0, %c0_i32 : i32, i32
  }
  func.func @transform_1(%arg0: i32) -> (i32, i32) {
    %c0_i32 = arith.constant 0 : i32
    %c0_i32_0 = arith.constant 0 : i32
    %c0_i32_1 = arith.constant 0 : i32
    return %c0_i32, %c0_i32_0 : i32, i32
  }
  func.func @transform_2(%arg0: i32) -> i32 {
    %c0_i32 = arith.constant 0 : i32
    %c0_i32_0 = arith.constant 0 : i32
    return %c0_i32 : i32
  }
  func.func @transform_3(%arg0: i32) -> (i32, i32) {
    %c0_i32 = arith.constant 0 : i32
    %c0_i32_0 = arith.constant 0 : i32
    %c0_i32_1 = arith.constant 0 : i32
    return %c0_i32, %c0_i32_0 : i32, i32
  }
  func.func @transform_4(%arg0: i32) -> i32 {
    %c0_i32 = arith.constant 0 : i32
    %c0_i32_0 = arith.constant 0 : i32
    return %c0_i32 : i32
  }
  func.func @transform_5(%arg0: i32) -> (i32, i32) {
    %c0_i32 = arith.constant 0 : i32
    %c0_i32_0 = arith.constant 0 : i32
    %c0_i32_1 = arith.constant 0 : i32
    return %c0_i32, %c0_i32_0 : i32, i32
  }
  func.func @transform_6(%arg0: i32) -> i32 {
    %c0_i32 = arith.constant 0 : i32
    %c0_i32_0 = arith.constant 0 : i32
    return %c0_i32 : i32
  }
  func.func @transform_7(%arg0: i32) -> (i32, i32) {
    %c0_i32 = arith.constant 0 : i32
    %c0_i32_0 = arith.constant 0 : i32
    return %arg0, %c0_i32 : i32, i32
  }
}

</mosaic_0001>

<sc_bundles>
// kernel: gather_offload_async_start.1
scs
__scs_entry_jumppad:
0x0: {  	(pc) =	sbr.rel $0x88, $3  }
0x1: {  	(tag) =	ssettag $0x0;
	lr =	simm.s32 $0x1  }
0x2: {  	[smem:$0x3F6F] =	sst lr;
	_ =	strace $0xD0000000  }
0x3: {  	_ = 	snop  }
0x4: {  	_ = 	snop  }
0x5: {  	_ = 	snop  }
0x6: {  	_ = 	snop  }
0x7: {  	_ = 	snop  }
__scs_overlays_trampoline_lowered:
0x8: {  	[smem:$0x3F7E] =	sst s0  }
0x9: {  	[smem:$0x3F7F] =	sst s1  }
0xa: {  	[smem:$0x3F80] =	sst s2  }
0xb: {  	[smem:$0x3F81] =	sst s3  }
0xc: {  	[smem:$0x3F82] =	sst s4  }
0xd: {  	[smem:$0x3F83] =	sst s5  }
0xe: {  	[smem:$0x3F84] =	sst s6  }
0xf: {  	[smem:$0x3F85] =	sst s7  }
0x10: {  	[smem:$0x3F86] =	sst s8  }
0x11: {  	[smem:$0x3F87] =	sst s9;
	s0 =	simm.s32 @!p0 $0x0  }
0x12: {  	s1 =	sld [smem:$0x3F6D];
	s0 =	simm.s32 @p0 $0x1  }
0x13: {  	[smem:$0x3F88] =	sst s0;
	s0 =	simm.s32 @!p1 $0x0  }
0x14: {  	s2 =	sld [smem:$0x3F6C];
	s0 =	simm.s32 @p1 $0x1  }
0x15: {  	[smem:$0x3F89] =	sst s0;
	s0 =	simm.s32 @!p2 $0x0  }
0x16: {  	s3 =	sld [smem:$0x3FDB];
	s0 =	simm.s32 @p2 $0x1  }
0x17: {  	s4 =	simm.s32 $0x1BF5;
	[smem:$0x3F8B] =	sst s0  }
0x18: {  	s0 =	sld [smem:$0x3F6E];
	_ =	swait.ge [sflag:s4], $0x0  }
0x19: {  	s7 =	sld [smem:$0x3F6F]  }
0x1a: {  	s8 =	sadd.s32 $0xFFFFE003, lr  }
0x1b: {  	s9 =	sadd.s32 $0xFFFFFEF7, lr;
	s5 =	simm.s32 $0xFFFFFFFF;
	p2 =	slt.u32 s8, $0xFFFFF086  }
0x1c: {  	p1 =	slt.u32 s9, $0xF7A;
	s5 =	simm.s32 @!p2 $0x0  }
0x1d: {  	s5 =	simm.s32 @p1 $0x1;
	p0 =	seq.s32 s7, s2  }
0x1e: {  	s7 =	smul.u32 @!p0 $0xF7A, s2;
	p2 =	seq.s32 @!p0 s5, $0x0  }
0x1f: {  	s9 =	smul.u32 $0xF7A, s1;
	s8 =	simm.s32 @!p0 $0x1BF5;
	p2 =	por !p2, p0  }
0x20: {  	[sflag:s8] =	ssyncset.s32 @!p0 $0xFFFFF086;
	s6 =	sadd.s32 @!p0 s3, s7;
	s7 =	simm.s32 @!p0 $0x108  }
0x21: {  	s3 =	sadd.s32 s3, s9;
	s6 =	sadd.s32 @!p0 $0x88, s6;
	s7 =	simm.s32 @p2 $0x1082  }
0x22: {  	[simem:s7], [sflag:s8] =	dma.local @!p0 [hbm:s6], $0xF7A  }
0x23: {  	s9 =	sor.u32 $0xD0000000, s2;
	s6 =	simm.s32 $0x108;
	_ =	swait.ge @!p0 [sflag:s8], $0x0  }
0x24: {  	s3 =	sadd.s32 $0x88, s3;
	s6 =	simm.s32 @!p1 $0x1082;
	[sflag:s4] =	ssyncset.s32 $0xFFFFF086  }
0x25: {  	[simem:s6], [sflag:s4] =	dma.local [hbm:s3], $0xF7A  }
0x26: {  	[smem:$0x3F6F] =	sst s1;
	(tag) =	ssettag s2;
	_ =	strace s9  }
0x27: {  	s1 =	sld [smem:$0x3F7F]  }
0x28: {  	s2 =	sld [smem:$0x3F80]  }
0x29: {  	s4 =	sld [smem:$0x3F82]  }
0x2a: {  	p0 =	seq.s32 s5, $0x0;
	s5 =	sld [smem:$0x3F83]  }
0x2b: {  	s6 =	sld [smem:$0x3F84]  }
0x2c: {  	s7 =	sld [smem:$0x3F85]  }
0x2d: {  	s3 =	simm.s32 $0x108;
	s8 =	sld [smem:$0x3F86]  }
0x2e: {  	s3 =	simm.s32 @!p0 $0x1082;
	s9 =	sld [smem:$0x3F87]  }
0x2f: {  	lr =	sadd.s32 s0, s3;
	s0 =	sld [smem:$0x3F7E]  }
0x30: {  	s3 =	sld [smem:$0x3F81]  }
0x31: {  	[smem:$0x3F8A] =	sst s10  }
0x32: {  	s10 =	sld [smem:$0x3F88];
	_ =	sdelay $0x3  }
0x33: {  	p0 =	seq.s32 s10, $0x1;
	s10 =	sld [smem:$0x3F8A];
	_ =	sdelay $0x3  }
0x34: {  	[smem:$0x3F8A] =	sst s10  }
0x35: {  	s10 =	sld [smem:$0x3F89];
	_ =	sdelay $0x3  }
0x36: {  	p1 =	seq.s32 s10, $0x1;
	s10 =	sld [smem:$0x3F8A];
	_ =	sdelay $0x3  }
0x37: {  	[smem:$0x3F8A] =	sst s10  }
0x38: {  	s10 =	sld [smem:$0x3F8B]  }
0x39: {  	_ = 	snop;
	(pc) =	sbr.ind lr, $3  }
0x3a: {  	_ = 	snop  }
0x3b: {  	_ = 	snop  }
0x3c: {  	p2 =	seq.s32 s10, $0x1;
	s10 =	sld [smem:$0x3F8A]  }
0x3d: {  	_ =	shalt  }
0x3e: {  	_ =	shalt  }
0x3f: {  	_ =	shalt  }
0x40: {  	_ =	shalt  }
0x41: {  	_ =	shalt  }
0x42: {  	_ =	shalt  }
0x43: {  	_ =	shalt  }
0x44: {  	_ =	shalt  }
0x45: {  	_ =	shalt  }
0x46: {  	_ =	shalt  }
0x47: {  	_ =	shalt  }
0x48: {  	_ =	shalt  }
0x49: {  	_ =	shalt  }
0x4a: {  	_ =	shalt  }
0x4b: {  	_ =	shalt  }
0x4c: {  	_ =	shalt  }
0x4d: {  	_ =	shalt  }
0x4e: {  	_ =	shalt  }
0x4f: {  	_ =	shalt  }
0x50: {  	_ =	shalt  }
0x51: {  	_ =	shalt  }
0x52: {  	_ =	shalt  }
0x53: {  	_ =	shalt  }
0x54: {  	_ =	shalt  }
0x55: {  	_ =	shalt  }
0x56: {  	_ =	shalt  }
0x57: {  	_ =	shalt  }
0x58: {  	_ =	shalt  }
0x59: {  	_ =	shalt  }
0x5a: {  	_ =	shalt  }
0x5b: {  	_ =	shalt  }
0x5c: {  	_ =	shalt  }
0x5d: {  	_ =	shalt  }
0x5e: {  	_ =	shalt  }
0x5f: {  	_ =	shalt  }
0x60: {  	_ =	shalt  }
0x61: {  	_ =	shalt  }
0x62: {  	_ =	shalt  }
0x63: {  	_ =	shalt  }
0x64: {  	_ =	shalt  }
0x65: {  	_ =	shalt  }
0x66: {  	_ =	shalt  }
0x67: {  	_ =	shalt  }
0x68: {  	_ =	shalt  }
0x69: {  	_ =	shalt  }
0x6a: {  	_ =	shalt  }
0x6b: {  	_ =	shalt  }
0x6c: {  	_ =	shalt  }
0x6d: {  	_ =	shalt  }
0x6e: {  	_ =	shalt  }
0x6f: {  	_ =	shalt  }
0x70: {  	_ =	shalt  }
0x71: {  	_ =	shalt  }
0x72: {  	_ =	shalt  }
0x73: {  	_ =	shalt  }
0x74: {  	_ =	shalt  }
0x75: {  	_ =	shalt  }
0x76: {  	_ =	shalt  }
0x77: {  	_ =	shalt  }
0x78: {  	_ =	shalt  }
0x79: {  	_ =	shalt  }
0x7a: {  	_ =	shalt  }
0x7b: {  	_ =	shalt  }
0x7c: {  	_ =	shalt  }
0x7d: {  	_ =	shalt  }
0x7e: {  	_ =	shalt  }
0x7f: {  	_ =	shalt  }
0x80: {  	_ =	shalt  }
0x81: {  	_ =	shalt  }
0x82: {  	_ =	shalt  }
0x83: {  	_ =	shalt  }
0x84: {  	_ =	shalt  }
0x85: {  	_ =	shalt  }
0x86: {  	_ =	shalt  }
0x87: {  	_ =	shalt  }
.Lfunc_end0:
.L_simem_size_0:
called_computation.1_lowered:
.L_overlay_start_0:
0x88: {  	s2 =	sld [smem:$0x3FD9]  }
0x89: {  	s3 =	sld [smem:$0x3FFE];
	_ =	sdelay $0x1  }
0x8a: {  	s1 =	srdreg.scid  }
0x8b: {  	s0 =	sand.u32 $0x1, s1  }
0x8c: {  	s16 =	sshll.u32 s0, $0xA;
	s2 =	sadd.s32 s3, s2  }
0x8d: {  	s2 =	sadd.s32 s2, s16  }
0x8e: {  	[smem:$0x3F96] =	sst s2  }
0x8f: {  	_ = 	snop  }
0x90: {  	(tm) =	ssettm $0x1  }
0x91: {  	s17 =	sld [smem:$0x3FFB];
	_ =	sdelay $0x3  }
0x92: {  	_ =	strace s17  }
0x93: {  	s2 =	sld [smem:$0x3FFC];
	_ =	sdelay $0x3  }
0x94: {  	_ =	strace s2  }
0x95: {  	s2 =	sld [smem:$0x3FFD];
	_ =	sdelay $0x3  }
0x96: {  	_ =	strace s2  }
0x97: {  	_ =	strace $0x8FFFFFFF  }
0x98: {  	s18 =	sld [smem:$0x3FDB];
	_ =	sdelay $0x1  }
0x99: {  	s19 =	simm.s32 $_scs_section_size  }
0x9a: {  	s4 =	simm.s32 $_size__tile_overlayer_lowered;
	s5 =	simm.s32 $_tile_overlayer_lowered  }
0x9b: {  	s22 =	simm.s32 $0x1BFF;
	s21 =	sshll.u32 s5, $0x1;
	s2 =	sadd.s32 s19, s18  }
0x9c: {  	s6 =	simm.s32 $0x0;
	s20 =	sshll.u32 s4, $0x1;
	s4 =	sadd.s32 s21, s2  }
0x9d: {  	[timem:s6], [sflag:s22] =	dma.local [hbm:s4], s20  }
0x9e: {  	_ =	swait.ge [sflag:s22], s20  }
0x9f: {  	s3 =	ssub.s32 $0x0, s20;
	[sflag:s22] =	ssyncset.done $0x0  }
0xa0: {  	[sflag:s22] =	ssyncadd.s32 s3;
	_ =	sdelay $0x1  }
0xa1: {  	s23 =	simm.s32 $0x1B8B  }
0xa2: {  	_ =	swait.ge [sflag:s23], $0x1  }
0xa3: {  	[sflag:s23] =	ssyncset.done $0x0  }
0xa4: {  	s25 =	simm.s32 $0x1B8E;
	s24 =	sld [smem:$0x3FFE];
	[sflag:s23] =	ssyncadd.s32 $0xFFFFFFFF  }
0xa5: {  	s26 =	simm.s32 $execute0_lowered;
	[smem:$0x3FD2] =	sst s25  }
0xa6: {  	s4 =	sshll.u32 s26, $0x1;
	_ =	strace $0x80000046;
	[dreg:$0x1] =	wrdreg $0xFFFFFFFF  }
0xa7: {  	s28 =	simm.s32 $_size_execute0_lowered;
	s2 =	sadd.s32 s2, s4;
	[dreg:$0x0] =	wrdreg $0x0  }
0xa8: {  	s4 =	sshll.u32 s28, $0x1;
	[dreg:$0x2] =	wrdreg s2  }
0xa9: {  	[dreg:$0x3] =	wrdreg s4  }
0xaa: {  	[dreg:$0x4] =	wrdreg $0xC0  }
0xab: {  	_ =	task [dreg:s6], $0x5FFFF  }
0xac: {  	[dreg:$0x1] =	wrdreg $0xFFFFFFFF  }
0xad: {  	[dreg:$0x0] =	wrdreg $0x60  }
0xae: {  	[dreg:$0x2] =	wrdreg s24  }
0xaf: {  	[dreg:$0x3] =	wrdreg $0xC  }
0xb0: {  	_ =	task.clear_ibuf [dreg:s6], $0x4FFFF;
	_ =	strace $0x90000046  }
0xb1: {  	s29 =	simm.s32 $0xC;
	_ =	strace $0x80000048  }
0xb2: {  	_ =	swait.ge [sflag:s29], $0x1  }
0xb3: {  	[sflag:s29] =	ssyncadd.s32 $0xFFFFFFFF  }
0xb4: {  	_ =	strace $0x90000048  }
0xb5: {  	_ =	sfence  }
0xb6: {  	s30 =	sld [smem:$0x0];
	_ =	sdelay $0x2  }
0xb7: {  	s31 =	sshll.u32 s1, $0xD;
	s1 =	sshrl.u32 s1, $0x2  }
0xb8: {  	s3 =	sand.u32 $0x4000, s31;
	s1 =	sadd.s32 s1, s30  }
0xb9: {  	s0 =	sor.u32 s3, s0;
	s1 =	sshll.u32 s1, $0x11  }
0xba: {  	s0 =	sor.u32 s1, s0  }
0xbb: {  	s0 =	sadd.s32 $0x8F2B, s0  }
0xbc: {  	[sflag:s0] =	ssyncadd.remote.s32 $0x1  }
0xbd: {  	_ =	sfence.sel $0xFFFF  }
0xbe: {  	[dreg:$0x0] =	wrdreg $0xFFFFFFFF;
	(pc) =	sbr.abs _section_cstart, $3  }
0xbf: {  	[dreg:$0x1] =	wrdreg $0xFFFFFFFF  }
0xc0: {  	_ =	task.clear_ibuf [dreg:s6], $0x2FFFF;
	_ =	strace $0x9FFFFFFF  }
0xc1: {  	(tm) =	ssettm $0x7FFFFFFF  }
tec
execute0_lowered:
.L_overlay_start_1:
0x0: {  	(tag) =	ssettag $0x1  }
0x1: {  	s7 =	rddreg [dreg:$0x0]  }
0x2: {  	s0 =	rddreg [dreg:$0x1];
	_ =	strace $0x80000047  }
0x3: {  	s1 =	srdreg.scid;
	s4 =	simm.s32 $0x1;
	s9 =	simm.s32 $0x3  }
0x4: {  	s11 =	simm.s32 $0x0;
	p0 =	por $0x0, $0x0;
	s5 =	sshll.u32 s1, $0x4  }
.Ltmp0:
0x5: {  	s1 =	stileid.u32;
	s5 =	sand.u32 $0x10, s5;
	(pc) =	sbr.rel .LBB2_1-.Ltmp0, $4  }
0x6: {  	s2 =	sadd.s32 $0x6000, s7;
	s3 =	sadd.s32 $0x412400, s7;
	s6 =	sor.u32 s1, s5  }
0x7: {  	[sflag:s4] =	ssyncpa.u1 $0x0;
	s5 =	simm.s32 $0x2;
	s6 =	sshll.u32 s6, $0x9  }
0x8: {  	s7 =	sadd.s32 $0x416C00, s7;
	[sflag:s5] =	ssyncpa.u1 $0x0;
	s8 =	sadd.s32 $0x200, s6  }
0x9: {  	vm0 =	vmmov $0xff;
	vm1 =	vcmask $0x3F20;
	[sflag:s9] =	ssyncpa.u1 $0x0;
	s10 =	smov.u32 s6;
	s9 =	simm.s32 $0x0  }
.LBB2_7:
0xa: {  	p1 =	slt.u32 s9, $0x2;
	s11 =	sadd.s32 $0x100, s10  }
0xb: {  	s13 =	smov.u32 s6;
	s9 =	sadd.s32 $0x1, s9;
	p2 =	slt.s32 s11, s8  }
0xc: {  	s13 =	smov.u32 @p2 s11;
	p2 =	sne.s32 s9, $0x4  }
.Ltmp1:
0xd: {  	_ = 	snop;
	(pc) =	sbr.rel @!p2 .LBB2_8-.Ltmp1, $4  }
0xe: {  	s12 =	simm.s32 @!p1 $0x3  }
0xf: {  	_ =	swait.ge @!p1 [sflag:s12], $0x8000  }
0x10: {  	p0 =	por !p0, !p0;
	[sflag:s12] =	ssyncset.done @!p1 $0x0  }
0x11: {  	s11 =	smov.u32 s10;
	s10 =	smov.u32 s13;
	[sflag:s12] =	ssyncadd.s32 @!p1 $0xFFFF8000  }
.LBB2_1:
0x12: {  	p1 =	sgt.u32 s9, $0x1  }
0x13: {  	s12 =	sshll.u32 @!p1 s9, $0x8;
	s13 =	sshrl.u32 @!p1 s10, $0x3  }
0x14: {  	s14 =	sand.u32 @!p1 $0x7, s10;
	s12 =	sxor.u32 @!p1 $0x100, s12;
	s13 =	sadd.s32 @!p1 s3, s13  }
0x15: {  	[tilespmem:s12], [sflag:$0x2] =	stream.linear.gather @!p1 [hbm4b:s13+s14], $0x100, $0x38;
	[tilespmem:$0x10200] =	vst v63  }
0x16: {  	p1 =	seq.s32 s9, $0x0  }
0x17: {  	p2 =	seq.s32 @!p1 s9, $0x3  }
0x18: {  	p1 =	por p1, p2  }
.Ltmp2:
0x19: {  	_ = 	snop;
	(pc) =	sbr.rel @p1 .LBB2_7-.Ltmp2, $1  }
0x1a: {  	_ =	sdelay $0x3  }
0x1b: {  	s12 =	simm.s32 $0x1  }
0x1c: {  	_ =	swait.ge [sflag:s5], $0x100;
	s12 =	simm.s32 @!p0 $0x0  }
0x1d: {  	[sflag:s5] =	ssyncset.done $0x0;
	s14 =	sshll.u32 s12, $0x8  }
0x1e: {  	[sflag:s5] =	ssyncadd.s32 $0xFFFFFF00;
	s13 =	sadd.s32 $0x0, s14  }
0x1f: {  	v0 =	vld.msk [tilespmem:s13+$0x0 ss:$0x1], $0xffff;
	_ =	sdelay $0x4  }
0x20: {  	v1 =	vshll.u32 v0, $0x3  }
0x21: {  	vm2 =	veq.s32 v0, $0x80000000;
	v0 =	vshll.u32 v0, $0x15;
	v1 =	vand.u32 $0x1FFF80, v1  }
0x22: {  	v0 =	vand.u32 $0x1E00000, v0;
	v1 =	vsel vm2, $0xFFFFFF80, v1  }
0x23: {  	v0 =	vsel vm2, $0xFFE00000, v0;
	v2 =	vand.u32 $0xFFFFFC00, v1  }
0x24: {  	v1 =	vand.u32 $0x380, v1;
	v0 =	vadd.s32 v0, v2  }
0x25: {  	v0 =	vor.u32 v1, v0  }
0x26: {  	v0 =	vshrl.u32 v0, $0x3;
	_ =	sdelay $0x2  }
0x27: {  	s12 =	sshll.u32 s12, $0xF  }
0x28: {  	s12 =	sor.u32 $0x200, s12  }
0x29: {  	[tilespmem:s12], [sflag:$0x1] =	stream.indirect_vreg.gather [hbm:s2], $0x80, v0, vm0, $0x38;
	[tilespmem:$0x10200] =	vst v63  }
0x2a: {  	s15 =	sadd.s32 $0x10, s14;
	s13 =	sadd.s32 $0x400, s12  }
0x2b: {  	[tilespmem:s13], [sflag:$0x1] =	stream.indirect_vreg.gather [hbm:s2], $0x80, v0, vm1, $0x38;
	[tilespmem:$0x10200] =	vst v63  }
0x2c: {  	s16 =	simm.s32 $0x80;
	v0 =	vld.msk [tilespmem:s15+$0x0 ss:$0x1], $0xffff;
	s15 =	smov.u32 s12  }
.LBB2_3:
0x2d: {  	p1 =	sne.s32 s16, $0x3C0;
	_ =	sdelay $0x4  }
0x2e: {  	v1 =	vshll.u32 v0, $0x3  }
0x2f: {  	vm2 =	veq.s32 v0, $0x80000000;
	v0 =	vshll.u32 v0, $0x15;
	v1 =	vand.u32 $0x1FFF80, v1  }
0x30: {  	v0 =	vand.u32 $0x1E00000, v0;
	v1 =	vsel vm2, $0xFFFFFF80, v1  }
0x31: {  	v0 =	vsel vm2, $0xFFE00000, v0;
	v2 =	vand.u32 $0xFFFFFC00, v1  }
0x32: {  	v1 =	vand.u32 $0x380, v1;
	v0 =	vadd.s32 v0, v2  }
0x33: {  	v0 =	vor.u32 v1, v0  }
0x34: {  	v0 =	vshrl.u32 v0, $0x3;
	_ =	sdelay $0x3  }
.Ltmp3:
0x35: {  	s17 =	sshra.s32 s16, $0x2;
	s15 =	sadd.s32 $0x800, s15;
	(pc) =	sbr.rel @p1 .LBB2_3-.Ltmp3, $4  }
0x36: {  	[tilespmem:s15], [sflag:$0x1] =	stream.indirect_vreg.gather [hbm:s2], $0x80, v0, vm0, $0x38;
	[tilespmem:$0x10200] =	vst v63  }
0x37: {  	s17 =	sadd.s32 s17, s14;
	s18 =	sadd.s32 $0x400, s15  }
0x38: {  	[tilespmem:s18], [sflag:$0x1] =	stream.indirect_vreg.gather [hbm:s2], $0x80, v0, vm1, $0x38;
	[tilespmem:$0x10200] =	vst v63  }
0x39: {  	s16 =	sadd.s32 $0x40, s16;
	v0 =	vld.msk [tilespmem:s17+$0x0 ss:$0x1], $0xffff  }
0x3a: {  	_ =	sdelay $0x3  }
0x3b: {  	v1 =	vshll.u32 v0, $0x3  }
0x3c: {  	vm2 =	veq.s32 v0, $0x80000000;
	v63 =	vshll.u32 v0, $0x15;
	v1 =	vand.u32 $0x1FFF80, v1  }
0x3d: {  	v0 =	vand.u32 $0x1E00000, v63;
	v1 =	vsel vm2, $0xFFFFFF80, v1  }
0x3e: {  	v0 =	vsel vm2, $0xFFE00000, v0;
	v2 =	vand.u32 $0xFFFFFC00, v1  }
0x3f: {  	v1 =	vand.u32 $0x380, v1;
	v0 =	vadd.s32 v0, v2  }
0x40: {  	v0 =	vor.u32 v1, v0  }
0x41: {  	v0 =	vshrl.u32 v0, $0x3;
	_ =	sdelay $0x3  }
0x42: {  	s14 =	sadd.s32 $0x800, s15  }
0x43: {  	[tilespmem:s14], [sflag:$0x1] =	stream.indirect_vreg.gather [hbm:s2], $0x80, v0, vm0, $0x38;
	[tilespmem:$0x10200] =	vst v63  }
0x44: {  	s14 =	sadd.s32 $0x400, s14  }
0x45: {  	[tilespmem:s14], [sflag:$0x1] =	stream.indirect_vreg.gather [hbm:s2], $0x80, v0, vm1, $0x38;
	[tilespmem:$0x10200] =	vst v63  }
0x46: {  	s11 =	sshll.u32 s11, $0x4;
	_ =	swait.ge [sflag:s4], $0x8000  }
0x47: {  	s11 =	sadd.s32 s11, s7;
	[sflag:s4] =	ssyncset.done $0x0  }
0x48: {  	s15 =	sadd.s32 $0x0, s11;
	s14 =	simm.s32 $0x80;
	[sflag:s4] =	ssyncadd.s32 $0xFFFF8000  }
.LBB2_5:
0x49: {  	[hbm:s15] =	stream.linear.scatter [tilespmem:s12], [sflag:$0x3], $0x400, $0x38;
	[tilespmem:$0x10200] =	vst v63  }
0x4a: {  	s15 =	smov.u32 s14;
	s12 =	smov.u32 s13;
	p1 =	sne.s32 s14, $0xF80  }
.Ltmp4:
0x4b: {  	s14 =	sadd.s32 $0x80, s14;
	(pc) =	sbr.rel @p1 .LBB2_5-.Ltmp4, $2  }
0x4c: {  	_ =	sdelay $0x2  }
0x4d: {  	s13 =	sadd.s32 $0x400, s13;
	s15 =	sadd.s32 s15, s11  }
.Ltmp5:
0x4e: {  	(pc) =	sbr.rel .LBB2_7-.Ltmp5, $2  }
0x4f: {  	_ =	sdelay $0x2  }
0x50: {  	[hbm:s15] =	stream.linear.scatter [tilespmem:s12], [sflag:$0x3], $0x400, $0x38;
	[tilespmem:$0x10200] =	vst v63  }
.LBB2_8:
0x51: {  	_ =	sfence.sel $0x180000  }
0x52: {  	s2 =	simm.s32 $0x2;
	[bflag:$0x0] =	sbarrier.arrive $0xFFFF  }
0x53: {  	s30 =	simm.s32 $0x3;
	[sflag:s2] =	ssyncpa.u1 $0x1  }
0x54: {  	s31 =	simm.s32 $0x1;
	[sflag:s30] =	ssyncpa.u1 $0x1  }
0x55: {  	[sflag:s31] =	ssyncpa.u1 $0x1  }
0x56: {  	p0 =	sne.s32 s1, $0x0;
	_ =	strace $0x90000047  }
0x57: {  	s0 =	sadd.s32 @!p0 $0x100000, s0;
	[bflag:$0x2] =	sbarrier.arrive $0xFFFF  }
0x58: {  	[sflag:s0] =	ssyncadd.tile.s32 @!p0 $0x1;
	_ =	shalt  }
.Lfunc_end2:
_tile_overlayer_lowered:
.L_overlay_start_2:
0x59: {  	(tag) =	ssettag $0x2  }
0x5a: {  	s0 =	rddreg [dreg:$0x0];
	s2 =	stileid.u32  }
0x5b: {  	s1 =	rddreg [dreg:$0x1];
	p0 =	sne.s32 s2, $0x0  }
0x5c: {  	s3 =	rddreg [dreg:$0x2];
	[bflag:$0x3] =	sbarrier.arrive $0xFFFF;
	s2 =	simm.s32 @!p0 $0x1C01  }
0x5d: {  	[timem:s3], [sflag:s2] =	dma.local @!p0 [hbm:s0], s1  }
0x5e: {  	s0 =	simm.s32 @!p0 $0x1  }
0x5f: {  	_ =	swait.ge @!p0 [sflag:s0], s1  }
0x60: {  	s1 =	ssub.s32 @!p0 $0x0, s1;
	[sflag:s0] =	ssyncset.done @!p0 $0x0  }
0x61: {  	[sflag:s0] =	ssyncadd.s32 @!p0 s1  }
0x62: {  	[bflag:$0x3] =	sbarrier.arrive $0xFFFF  }
0x63: {  	_ =	shalt  }

// kernel: gather_offload_async_start.2
scs
__scs_entry_jumppad:
0x0: {  	(pc) =	sbr.rel $0x88, $3  }
0x1: {  	(tag) =	ssettag $0x0;
	lr =	simm.s32 $0x1  }
0x2: {  	[smem:$0x3F6F] =	sst lr;
	_ =	strace $0xD0000000  }
0x3: {  	_ = 	snop  }
0x4: {  	_ = 	snop  }
0x5: {  	_ = 	snop  }
0x6: {  	_ = 	snop  }
0x7: {  	_ = 	snop  }
__scs_overlays_trampoline_lowered:
0x8: {  	[smem:$0x3F7E] =	sst s0  }
0x9: {  	[smem:$0x3F7F] =	sst s1  }
0xa: {  	[smem:$0x3F80] =	sst s2  }
0xb: {  	[smem:$0x3F81] =	sst s3  }
0xc: {  	[smem:$0x3F82] =	sst s4  }
0xd: {  	[smem:$0x3F83] =	sst s5  }
0xe: {  	[smem:$0x3F84] =	sst s6  }
0xf: {  	[smem:$0x3F85] =	sst s7  }
0x10: {  	[smem:$0x3F86] =	sst s8  }
0x11: {  	[smem:$0x3F87] =	sst s9;
	s0 =	simm.s32 @!p0 $0x0  }
0x12: {  	s1 =	sld [smem:$0x3F6D];
	s0 =	simm.s32 @p0 $0x1  }
0x13: {  	[smem:$0x3F88] =	sst s0;
	s0 =	simm.s32 @!p1 $0x0  }
0x14: {  	s2 =	sld [smem:$0x3F6C];
	s0 =	simm.s32 @p1 $0x1  }
0x15: {  	[smem:$0x3F89] =	sst s0;
	s0 =	simm.s32 @!p2 $0x0  }
0x16: {  	s3 =	sld [smem:$0x3FDB];
	s0 =	simm.s32 @p2 $0x1  }
0x17: {  	s4 =	simm.s32 $0x1BF5;
	[smem:$0x3F8B] =	sst s0  }
0x18: {  	s0 =	sld [smem:$0x3F6E];
	_ =	swait.ge [sflag:s4], $0x0  }
0x19: {  	s7 =	sld [smem:$0x3F6F]  }
0x1a: {  	s8 =	sadd.s32 $0xFFFFE003, lr  }
0x1b: {  	s9 =	sadd.s32 $0xFFFFFEF7, lr;
	s5 =	simm.s32 $0xFFFFFFFF;
	p2 =	slt.u32 s8, $0xFFFFF086  }
0x1c: {  	p1 =	slt.u32 s9, $0xF7A;
	s5 =	simm.s32 @!p2 $0x0  }
0x1d: {  	s5 =	simm.s32 @p1 $0x1;
	p0 =	seq.s32 s7, s2  }
0x1e: {  	s7 =	smul.u32 @!p0 $0xF7A, s2;
	p2 =	seq.s32 @!p0 s5, $0x0  }
0x1f: {  	s9 =	smul.u32 $0xF7A, s1;
	s8 =	simm.s32 @!p0 $0x1BF5;
	p2 =	por !p2, p0  }
0x20: {  	[sflag:s8] =	ssyncset.s32 @!p0 $0xFFFFF086;
	s6 =	sadd.s32 @!p0 s3, s7;
	s7 =	simm.s32 @!p0 $0x108  }
0x21: {  	s3 =	sadd.s32 s3, s9;
	s6 =	sadd.s32 @!p0 $0x88, s6;
	s7 =	simm.s32 @p2 $0x1082  }
0x22: {  	[simem:s7], [sflag:s8] =	dma.local @!p0 [hbm:s6], $0xF7A  }
0x23: {  	s9 =	sor.u32 $0xD0000000, s2;
	s6 =	simm.s32 $0x108;
	_ =	swait.ge @!p0 [sflag:s8], $0x0  }
0x24: {  	s3 =	sadd.s32 $0x88, s3;
	s6 =	simm.s32 @!p1 $0x1082;
	[sflag:s4] =	ssyncset.s32 $0xFFFFF086  }
0x25: {  	[simem:s6], [sflag:s4] =	dma.local [hbm:s3], $0xF7A  }
0x26: {  	[smem:$0x3F6F] =	sst s1;
	(tag) =	ssettag s2;
	_ =	strace s9  }
0x27: {  	s1 =	sld [smem:$0x3F7F]  }
0x28: {  	s2 =	sld [smem:$0x3F80]  }
0x29: {  	s4 =	sld [smem:$0x3F82]  }
0x2a: {  	p0 =	seq.s32 s5, $0x0;
	s5 =	sld [smem:$0x3F83]  }
0x2b: {  	s6 =	sld [smem:$0x3F84]  }
0x2c: {  	s7 =	sld [smem:$0x3F85]  }
0x2d: {  	s3 =	simm.s32 $0x108;
	s8 =	sld [smem:$0x3F86]  }
0x2e: {  	s3 =	simm.s32 @!p0 $0x1082;
	s9 =	sld [smem:$0x3F87]  }
0x2f: {  	lr =	sadd.s32 s0, s3;
	s0 =	sld [smem:$0x3F7E]  }
0x30: {  	s3 =	sld [smem:$0x3F81]  }
0x31: {  	[smem:$0x3F8A] =	sst s10  }
0x32: {  	s10 =	sld [smem:$0x3F88];
	_ =	sdelay $0x3  }
0x33: {  	p0 =	seq.s32 s10, $0x1;
	s10 =	sld [smem:$0x3F8A];
	_ =	sdelay $0x3  }
0x34: {  	[smem:$0x3F8A] =	sst s10  }
0x35: {  	s10 =	sld [smem:$0x3F89];
	_ =	sdelay $0x3  }
0x36: {  	p1 =	seq.s32 s10, $0x1;
	s10 =	sld [smem:$0x3F8A];
	_ =	sdelay $0x3  }
0x37: {  	[smem:$0x3F8A] =	sst s10  }
0x38: {  	s10 =	sld [smem:$0x3F8B]  }
0x39: {  	_ = 	snop;
	(pc) =	sbr.ind lr, $3  }
0x3a: {  	_ = 	snop  }
0x3b: {  	_ = 	snop  }
0x3c: {  	p2 =	seq.s32 s10, $0x1;
	s10 =	sld [smem:$0x3F8A]  }
0x3d: {  	_ =	shalt  }
0x3e: {  	_ =	shalt  }
0x3f: {  	_ =	shalt  }
0x40: {  	_ =	shalt  }
0x41: {  	_ =	shalt  }
0x42: {  	_ =	shalt  }
0x43: {  	_ =	shalt  }
0x44: {  	_ =	shalt  }
0x45: {  	_ =	shalt  }
0x46: {  	_ =	shalt  }
0x47: {  	_ =	shalt  }
0x48: {  	_ =	shalt  }
0x49: {  	_ =	shalt  }
0x4a: {  	_ =	shalt  }
0x4b: {  	_ =	shalt  }
0x4c: {  	_ =	shalt  }
0x4d: {  	_ =	shalt  }
0x4e: {  	_ =	shalt  }
0x4f: {  	_ =	shalt  }
0x50: {  	_ =	shalt  }
0x51: {  	_ =	shalt  }
0x52: {  	_ =	shalt  }
0x53: {  	_ =	shalt  }
0x54: {  	_ =	shalt  }
0x55: {  	_ =	shalt  }
0x56: {  	_ =	shalt  }
0x57: {  	_ =	shalt  }
0x58: {  	_ =	shalt  }
0x59: {  	_ =	shalt  }
0x5a: {  	_ =	shalt  }
0x5b: {  	_ =	shalt  }
0x5c: {  	_ =	shalt  }
0x5d: {  	_ =	shalt  }
0x5e: {  	_ =	shalt  }
0x5f: {  	_ =	shalt  }
0x60: {  	_ =	shalt  }
0x61: {  	_ =	shalt  }
0x62: {  	_ =	shalt  }
0x63: {  	_ =	shalt  }
0x64: {  	_ =	shalt  }
0x65: {  	_ =	shalt  }
0x66: {  	_ =	shalt  }
0x67: {  	_ =	shalt  }
0x68: {  	_ =	shalt  }
0x69: {  	_ =	shalt  }
0x6a: {  	_ =	shalt  }
0x6b: {  	_ =	shalt  }
0x6c: {  	_ =	shalt  }
0x6d: {  	_ =	shalt  }
0x6e: {  	_ =	shalt  }
0x6f: {  	_ =	shalt  }
0x70: {  	_ =	shalt  }
0x71: {  	_ =	shalt  }
0x72: {  	_ =	shalt  }
0x73: {  	_ =	shalt  }
0x74: {  	_ =	shalt  }
0x75: {  	_ =	shalt  }
0x76: {  	_ =	shalt  }
0x77: {  	_ =	shalt  }
0x78: {  	_ =	shalt  }
0x79: {  	_ =	shalt  }
0x7a: {  	_ =	shalt  }
0x7b: {  	_ =	shalt  }
0x7c: {  	_ =	shalt  }
0x7d: {  	_ =	shalt  }
0x7e: {  	_ =	shalt  }
0x7f: {  	_ =	shalt  }
0x80: {  	_ =	shalt  }
0x81: {  	_ =	shalt  }
0x82: {  	_ =	shalt  }
0x83: {  	_ =	shalt  }
0x84: {  	_ =	shalt  }
0x85: {  	_ =	shalt  }
0x86: {  	_ =	shalt  }
0x87: {  	_ =	shalt  }
.Lfunc_end0:
.L_simem_size_0:
called_computation.2_lowered:
.L_overlay_start_0:
0x88: {  	s2 =	sld [smem:$0x3FD9]  }
0x89: {  	s3 =	sld [smem:$0x3FFE];
	_ =	sdelay $0x1  }
0x8a: {  	s1 =	srdreg.scid  }
0x8b: {  	s0 =	sand.u32 $0x1, s1  }
0x8c: {  	s17 =	sshll.u32 s0, $0xA;
	s2 =	sadd.s32 s3, s2  }
0x8d: {  	s2 =	sadd.s32 s2, s17  }
0x8e: {  	[smem:$0x3F96] =	sst s2  }
0x8f: {  	_ = 	snop  }
0x90: {  	s18 =	sld [smem:$0x3FC8];
	(tm) =	ssettm $0x1  }
0x91: {  	s19 =	sld [smem:$0x3FFB];
	_ =	sdelay $0x3  }
0x92: {  	_ =	strace s19  }
0x93: {  	s2 =	sld [smem:$0x3FFC];
	_ =	sdelay $0x3  }
0x94: {  	_ =	strace s2  }
0x95: {  	s2 =	sld [smem:$0x3FFD];
	_ =	sdelay $0x3  }
0x96: {  	_ =	strace s2  }
0x97: {  	_ =	strace $0x8FFFFFFF  }
0x98: {  	s20 =	sld [smem:$0x3FDB];
	_ =	sdelay $0x1  }
0x99: {  	s4 =	simm.s32 $_scs_section_size  }
0x9a: {  	s5 =	simm.s32 $_size__tile_overlayer_lowered;
	s6 =	simm.s32 $_tile_overlayer_lowered  }
0x9b: {  	s7 =	simm.s32 $0x1BFF;
	s21 =	sshll.u32 s6, $0x1;
	s4 =	sadd.s32 s4, s20  }
0x9c: {  	s22 =	simm.s32 $0x0;
	s5 =	sshll.u32 s5, $0x1;
	s6 =	sadd.s32 s21, s4  }
0x9d: {  	[timem:s22], [sflag:s7] =	dma.local [hbm:s6], s5  }
0x9e: {  	_ =	swait.ge [sflag:s7], s5  }
0x9f: {  	s5 =	ssub.s32 $0x0, s5;
	[sflag:s7] =	ssyncset.done $0x0  }
0xa0: {  	[sflag:s7] =	ssyncadd.s32 s5;
	_ =	sdelay $0x1  }
0xa1: {  	s23 =	simm.s32 $0x1B8B  }
0xa2: {  	_ =	swait.ge [sflag:s23], $0x1  }
0xa3: {  	[sflag:s23] =	ssyncset.done $0x0  }
0xa4: {  	[sflag:s23] =	ssyncadd.s32 $0xFFFFFFFF  }
0xa5: {  	s5 =	sld [smem:$0x0]  }
0xa6: {  	s6 =	sand.u32 $0xFFFFFFFE, s1  }
0xa7: {  	p0 =	sne.s32 s1, s6  }
0xa8: {  	s6 =	sshll.u32 @p0 s6, $0xE  }
0xa9: {  	s6 =	sadd.s32 @p0 $0x11B8D, s6;
	s7 =	sshll.u32 @p0 s5, $0x11  }
0xaa: {  	s6 =	sor.u32 @p0 s7, s6  }
0xab: {  	[sflag:s6] =	ssyncadd.remote.s32 @p0 $0x1;
	_ =	sdelay $0x1  }
0xac: {  	s6 =	simm.s32 @p0 $0x1B8D  }
0xad: {  	_ =	swait.eq @p0 [sflag:s6], $0x1  }
0xae: {  	[sflag:s6] =	ssyncadd.s32 @p0 $0xFFFFFFFF  }
0xaf: {  	s7 =	sshll.u32 @!p0 s1, $0xE  }
0xb0: {  	s7 =	sor.u32 @!p0 $0x4000, s7;
	s6 =	simm.s32 @!p0 $0x1B8D  }
0xb1: {  	s5 =	sshll.u32 @!p0 s5, $0x11;
	s7 =	sadd.s32 @!p0 $0x11B8D, s7;
	_ =	swait.eq @!p0 [sflag:s6], $0x1  }
0xb2: {  	s5 =	sor.u32 @!p0 s5, s7;
	[sflag:s6] =	ssyncadd.s32 @!p0 $0xFFFFFFFF  }
0xb3: {  	s25 =	simm.s32 $0x1B8E;
	s24 =	sld [smem:$0x3FFE];
	[sflag:s5] =	ssyncadd.remote.s32 @!p0 $0x1  }
0xb4: {  	s26 =	simm.s32 $execute0_lowered;
	[smem:$0x3FD2] =	sst s25  }
0xb5: {  	s6 =	sshll.u32 s26, $0x1;
	_ =	strace $0x80000052;
	[dreg:$0x1] =	wrdreg $0xFFFFFFFF  }
0xb6: {  	s28 =	simm.s32 $_size_execute0_lowered;
	s4 =	sadd.s32 s4, s6;
	[dreg:$0x0] =	wrdreg $0x0  }
0xb7: {  	s6 =	sshll.u32 s28, $0x1;
	[dreg:$0x2] =	wrdreg s4  }
0xb8: {  	[dreg:$0x3] =	wrdreg s6  }
0xb9: {  	[dreg:$0x4] =	wrdreg $0xC0  }
0xba: {  	_ =	task [dreg:s22], $0x5FFFF  }
0xbb: {  	[dreg:$0x1] =	wrdreg $0xFFFFFFFF  }
0xbc: {  	[dreg:$0x0] =	wrdreg $0x60  }
0xbd: {  	[dreg:$0x2] =	wrdreg s18  }
0xbe: {  	[dreg:$0x3] =	wrdreg s24  }
0xbf: {  	[dreg:$0x4] =	wrdreg $0xA  }
0xc0: {  	_ =	task.clear_ibuf [dreg:s22], $0x5FFFF;
	_ =	strace $0x90000052  }
0xc1: {  	s29 =	simm.s32 $0xA;
	_ =	strace $0x80000054  }
0xc2: {  	_ =	swait.ge [sflag:s29], $0x1  }
0xc3: {  	[sflag:s29] =	ssyncadd.s32 $0xFFFFFFFF  }
0xc4: {  	_ =	strace $0x90000054  }
0xc5: {  	_ =	sfence  }
0xc6: {  	s30 =	sld [smem:$0x0];
	_ =	sdelay $0x2  }
0xc7: {  	s31 =	sshll.u32 s1, $0xD;
	s1 =	sshrl.u32 s1, $0x2  }
0xc8: {  	s4 =	sand.u32 $0x4000, s31;
	s1 =	sadd.s32 s1, s30  }
0xc9: {  	s0 =	sor.u32 s4, s0;
	s1 =	sshll.u32 s1, $0x11  }
0xca: {  	s0 =	sor.u32 s1, s0  }
0xcb: {  	s0 =	sadd.s32 $0x8F2B, s0  }
0xcc: {  	[sflag:s0] =	ssyncadd.remote.s32 $0x1  }
0xcd: {  	_ =	sfence.sel $0xFFFF  }
0xce: {  	[dreg:$0x0] =	wrdreg $0xFFFFFFFF;
	(pc) =	sbr.abs _section_cstart, $3  }
0xcf: {  	[dreg:$0x1] =	wrdreg $0xFFFFFFFF  }
0xd0: {  	_ =	task.clear_ibuf [dreg:s22], $0x2FFFF;
	_ =	strace $0x9FFFFFFF  }
0xd1: {  	(tm) =	ssettm $0x7FFFFFFF  }
tec
execute0_lowered:
.L_overlay_start_1:
0x0: {  	(tag) =	ssettag $0x1  }
0x1: {  	s2 =	rddreg [dreg:$0x0]  }
0x2: {  	s7 =	rddreg [dreg:$0x1]  }
0x3: {  	s0 =	rddreg [dreg:$0x2]  }
0x4: {  	s1 =	srdreg.scid;
	_ =	strace $0x80000053;
	s4 =	simm.s32 $0x1  }
0x5: {  	s9 =	simm.s32 $0x3;
	s11 =	simm.s32 $0x0;
	s5 =	sshll.u32 s1, $0x4  }
.Ltmp0:
0x6: {  	s1 =	stileid.u32;
	s5 =	sand.u32 $0x10, s5;
	(pc) =	sbr.rel .LBB2_1-.Ltmp0, $4  }
0x7: {  	p0 =	por $0x0, $0x0;
	s3 =	sadd.s32 $0x407600, s7;
	s6 =	sor.u32 s1, s5  }
0x8: {  	[sflag:s4] =	ssyncpa.u1 $0x0;
	s5 =	simm.s32 $0x2;
	s6 =	sshll.u32 s6, $0xA  }
0x9: {  	s7 =	sadd.s32 $0x718400, s7;
	[sflag:s5] =	ssyncpa.u1 $0x0;
	s8 =	sadd.s32 $0x400, s6  }
0xa: {  	vm0 =	vmmov $0xff;
	vm1 =	vcmask $0x3F20;
	[sflag:s9] =	ssyncpa.u1 $0x0;
	s10 =	smov.u32 s6;
	s9 =	simm.s32 $0x0  }
.LBB2_7:
0xb: {  	p1 =	slt.u32 s9, $0x2;
	s11 =	sadd.s32 $0x100, s10  }
0xc: {  	s13 =	smov.u32 s6;
	s9 =	sadd.s32 $0x1, s9;
	p2 =	slt.s32 s11, s8  }
0xd: {  	s13 =	smov.u32 @p2 s11;
	p2 =	sne.s32 s9, $0x6  }
.Ltmp1:
0xe: {  	_ = 	snop;
	(pc) =	sbr.rel @!p2 .LBB2_8-.Ltmp1, $4  }
0xf: {  	s12 =	simm.s32 @!p1 $0x3  }
0x10: {  	_ =	swait.ge @!p1 [sflag:s12], $0x8000  }
0x11: {  	p0 =	por !p0, !p0;
	[sflag:s12] =	ssyncset.done @!p1 $0x0  }
0x12: {  	s11 =	smov.u32 s10;
	s10 =	smov.u32 s13;
	[sflag:s12] =	ssyncadd.s32 @!p1 $0xFFFF8000  }
.LBB2_1:
0x13: {  	p1 =	sgt.u32 s9, $0x3  }
0x14: {  	s12 =	sxor.u32 @!p1 $0xFFFFFFFF, s9  }
0x15: {  	s13 =	sshrl.u32 @!p1 s10, $0x3;
	s12 =	sshll.u32 @!p1 s12, $0x8  }
0x16: {  	s14 =	sand.u32 @!p1 $0x7, s10;
	s13 =	sadd.s32 @!p1 s3, s13;
	s12 =	sand.u32 @!p1 $0x100, s12  }
0x17: {  	[tilespmem:s12], [sflag:$0x2] =	stream.linear.gather @!p1 [hbm4b:s13+s14], $0x100, $0x38;
	[tilespmem:$0x10200] =	vst v63  }
0x18: {  	p1 =	seq.s32 s9, $0x0  }
0x19: {  	p2 =	seq.s32 @!p1 s9, $0x5  }
0x1a: {  	p1 =	por p1, p2  }
.Ltmp2:
0x1b: {  	_ = 	snop;
	(pc) =	sbr.rel @p1 .LBB2_7-.Ltmp2, $1  }
0x1c: {  	_ =	sdelay $0x3  }
0x1d: {  	s12 =	simm.s32 $0x1  }
0x1e: {  	_ =	swait.ge [sflag:s5], $0x100;
	s12 =	simm.s32 @!p0 $0x0  }
0x1f: {  	[sflag:s5] =	ssyncset.done $0x0;
	s14 =	sshll.u32 s12, $0x8  }
0x20: {  	[sflag:s5] =	ssyncadd.s32 $0xFFFFFF00;
	s13 =	sadd.s32 $0x0, s14  }
0x21: {  	v0 =	vld.msk [tilespmem:s13+$0x0 ss:$0x1], $0xffff;
	_ =	sdelay $0x4  }
0x22: {  	v1 =	vshll.u32 v0, $0x3  }
0x23: {  	vm2 =	veq.s32 v0, $0x80000000;
	v0 =	vshll.u32 v0, $0x15;
	v1 =	vand.u32 $0x1FFF80, v1  }
0x24: {  	v0 =	vand.u32 $0x1E00000, v0;
	v1 =	vsel vm2, $0xFFFFFF80, v1  }
0x25: {  	v0 =	vsel vm2, $0xFFE00000, v0;
	v2 =	vand.u32 $0xFFFFFC00, v1  }
0x26: {  	v1 =	vand.u32 $0x380, v1;
	v0 =	vadd.s32 v0, v2  }
0x27: {  	v0 =	vor.u32 v1, v0  }
0x28: {  	v0 =	vshrl.u32 v0, $0x3;
	_ =	sdelay $0x2  }
0x29: {  	s12 =	sshll.u32 s12, $0xF  }
0x2a: {  	s12 =	sor.u32 $0x200, s12  }
0x2b: {  	[tilespmem:s12], [sflag:$0x1] =	stream.indirect_vreg.gather [hbm:s2], $0x80, v0, vm0, $0x38;
	[tilespmem:$0x10200] =	vst v63  }
0x2c: {  	s15 =	sadd.s32 $0x10, s14;
	s13 =	sadd.s32 $0x400, s12  }
0x2d: {  	[tilespmem:s13], [sflag:$0x1] =	stream.indirect_vreg.gather [hbm:s2], $0x80, v0, vm1, $0x38;
	[tilespmem:$0x10200] =	vst v63  }
0x2e: {  	s16 =	simm.s32 $0x80;
	v0 =	vld.msk [tilespmem:s15+$0x0 ss:$0x1], $0xffff;
	s15 =	smov.u32 s12  }
.LBB2_3:
0x2f: {  	p1 =	sne.s32 s16, $0x3C0;
	_ =	sdelay $0x4  }
0x30: {  	v1 =	vshll.u32 v0, $0x3  }
0x31: {  	vm2 =	veq.s32 v0, $0x80000000;
	v0 =	vshll.u32 v0, $0x15;
	v1 =	vand.u32 $0x1FFF80, v1  }
0x32: {  	v0 =	vand.u32 $0x1E00000, v0;
	v1 =	vsel vm2, $0xFFFFFF80, v1  }
0x33: {  	v0 =	vsel vm2, $0xFFE00000, v0;
	v2 =	vand.u32 $0xFFFFFC00, v1  }
0x34: {  	v1 =	vand.u32 $0x380, v1;
	v0 =	vadd.s32 v0, v2  }
0x35: {  	v0 =	vor.u32 v1, v0  }
0x36: {  	v0 =	vshrl.u32 v0, $0x3;
	_ =	sdelay $0x3  }
.Ltmp3:
0x37: {  	s17 =	sshra.s32 s16, $0x2;
	s15 =	sadd.s32 $0x800, s15;
	(pc) =	sbr.rel @p1 .LBB2_3-.Ltmp3, $4  }
0x38: {  	[tilespmem:s15], [sflag:$0x1] =	stream.indirect_vreg.gather [hbm:s2], $0x80, v0, vm0, $0x38;
	[tilespmem:$0x10200] =	vst v63  }
0x39: {  	s17 =	sadd.s32 s17, s14;
	s18 =	sadd.s32 $0x400, s15  }
0x3a: {  	[tilespmem:s18], [sflag:$0x1] =	stream.indirect_vreg.gather [hbm:s2], $0x80, v0, vm1, $0x38;
	[tilespmem:$0x10200] =	vst v63  }
0x3b: {  	s16 =	sadd.s32 $0x40, s16;
	v0 =	vld.msk [tilespmem:s17+$0x0 ss:$0x1], $0xffff  }
0x3c: {  	_ =	sdelay $0x3  }
0x3d: {  	v1 =	vshll.u32 v0, $0x3  }
0x3e: {  	vm2 =	veq.s32 v0, $0x80000000;
	v63 =	vshll.u32 v0, $0x15;
	v1 =	vand.u32 $0x1FFF80, v1  }
0x3f: {  	v0 =	vand.u32 $0x1E00000, v63;
	v1 =	vsel vm2, $0xFFFFFF80, v1  }
0x40: {  	v0 =	vsel vm2, $0xFFE00000, v0;
	v2 =	vand.u32 $0xFFFFFC00, v1  }
0x41: {  	v1 =	vand.u32 $0x380, v1;
	v0 =	vadd.s32 v0, v2  }
0x42: {  	v0 =	vor.u32 v1, v0  }
0x43: {  	v0 =	vshrl.u32 v0, $0x3;
	_ =	sdelay $0x3  }
0x44: {  	s14 =	sadd.s32 $0x800, s15  }
0x45: {  	[tilespmem:s14], [sflag:$0x1] =	stream.indirect_vreg.gather [hbm:s2], $0x80, v0, vm0, $0x38;
	[tilespmem:$0x10200] =	vst v63  }
0x46: {  	s14 =	sadd.s32 $0x400, s14  }
0x47: {  	[tilespmem:s14], [sflag:$0x1] =	stream.indirect_vreg.gather [hbm:s2], $0x80, v0, vm1, $0x38;
	[tilespmem:$0x10200] =	vst v63  }
0x48: {  	s11 =	sshll.u32 s11, $0x4;
	_ =	swait.ge [sflag:s4], $0x8000  }
0x49: {  	s11 =	sadd.s32 s11, s7;
	[sflag:s4] =	ssyncset.done $0x0  }
0x4a: {  	s15 =	sadd.s32 $0x0, s11;
	s14 =	simm.s32 $0x80;
	[sflag:s4] =	ssyncadd.s32 $0xFFFF8000  }
.LBB2_5:
0x4b: {  	[hbm:s15] =	stream.linear.scatter [tilespmem:s12], [sflag:$0x3], $0x400, $0x38;
	[tilespmem:$0x10200] =	vst v63  }
0x4c: {  	s15 =	smov.u32 s14;
	s12 =	smov.u32 s13;
	p1 =	sne.s32 s14, $0xF80  }
.Ltmp4:
0x4d: {  	s14 =	sadd.s32 $0x80, s14;
	(pc) =	sbr.rel @p1 .LBB2_5-.Ltmp4, $2  }
0x4e: {  	_ =	sdelay $0x2  }
0x4f: {  	s13 =	sadd.s32 $0x400, s13;
	s15 =	sadd.s32 s15, s11  }
.Ltmp5:
0x50: {  	(pc) =	sbr.rel .LBB2_7-.Ltmp5, $2  }
0x51: {  	_ =	sdelay $0x2  }
0x52: {  	[hbm:s15] =	stream.linear.scatter [tilespmem:s12], [sflag:$0x3], $0x400, $0x38;
	[tilespmem:$0x10200] =	vst v63  }
.LBB2_8:
0x53: {  	_ =	sfence.sel $0x180000  }
0x54: {  	s2 =	simm.s32 $0x2;
	[bflag:$0x0] =	sbarrier.arrive $0xFFFF  }
0x55: {  	s30 =	simm.s32 $0x3;
	[sflag:s2] =	ssyncpa.u1 $0x1  }
0x56: {  	s31 =	simm.s32 $0x1;
	[sflag:s30] =	ssyncpa.u1 $0x1  }
0x57: {  	[sflag:s31] =	ssyncpa.u1 $0x1  }
0x58: {  	p0 =	sne.s32 s1, $0x0;
	_ =	strace $0x90000053  }
0x59: {  	s0 =	sadd.s32 @!p0 $0x100000, s0;
	[bflag:$0x2] =	sbarrier.arrive $0xFFFF  }
0x5a: {  	[sflag:s0] =	ssyncadd.tile.s32 @!p0 $0x1;
	_ =	shalt  }
.Lfunc_end2:
_tile_overlayer_lowered:
.L_overlay_start_2:
0x5b: {  	(tag) =	ssettag $0x2  }
0x5c: {  	s0 =	rddreg [dreg:$0x0];
	s2 =	stileid.u32  }
0x5d: {  	s1 =	rddreg [dreg:$0x1];
	p0 =	sne.s32 s2, $0x0  }
0x5e: {  	s3 =	rddreg [dreg:$0x2];
	[bflag:$0x3] =	sbarrier.arrive $0xFFFF;
	s2 =	simm.s32 @!p0 $0x1C01  }
0x5f: {  	[timem:s3], [sflag:s2] =	dma.local @!p0 [hbm:s0], s1  }
0x60: {  	s0 =	simm.s32 @!p0 $0x1  }
0x61: {  	_ =	swait.ge @!p0 [sflag:s0], s1  }
0x62: {  	s1 =	ssub.s32 @!p0 $0x0, s1;
	[sflag:s0] =	ssyncset.done @!p0 $0x0  }
0x63: {  	[sflag:s0] =	ssyncadd.s32 @!p0 s1  }
0x64: {  	[bflag:$0x3] =	sbarrier.arrive $0xFFFF  }
0x65: {  	_ =	shalt  }

// kernel: gather_offload_async_start.3
scs
__scs_entry_jumppad:
0x0: {  	(pc) =	sbr.rel $0x88, $3  }
0x1: {  	(tag) =	ssettag $0x0;
	lr =	simm.s32 $0x1  }
0x2: {  	[smem:$0x3F6F] =	sst lr;
	_ =	strace $0xD0000000  }
0x3: {  	_ = 	snop  }
0x4: {  	_ = 	snop  }
0x5: {  	_ = 	snop  }
0x6: {  	_ = 	snop  }
0x7: {  	_ = 	snop  }
__scs_overlays_trampoline_lowered:
0x8: {  	[smem:$0x3F7E] =	sst s0  }
0x9: {  	[smem:$0x3F7F] =	sst s1  }
0xa: {  	[smem:$0x3F80] =	sst s2  }
0xb: {  	[smem:$0x3F81] =	sst s3  }
0xc: {  	[smem:$0x3F82] =	sst s4  }
0xd: {  	[smem:$0x3F83] =	sst s5  }
0xe: {  	[smem:$0x3F84] =	sst s6  }
0xf: {  	[smem:$0x3F85] =	sst s7  }
0x10: {  	[smem:$0x3F86] =	sst s8  }
0x11: {  	[smem:$0x3F87] =	sst s9;
	s0 =	simm.s32 @!p0 $0x0  }
0x12: {  	s1 =	sld [smem:$0x3F6D];
	s0 =	simm.s32 @p0 $0x1  }
0x13: {  	[smem:$0x3F88] =	sst s0;
	s0 =	simm.s32 @!p1 $0x0  }
0x14: {  	s2 =	sld [smem:$0x3F6C];
	s0 =	simm.s32 @p1 $0x1  }
0x15: {  	[smem:$0x3F89] =	sst s0;
	s0 =	simm.s32 @!p2 $0x0  }
0x16: {  	s3 =	sld [smem:$0x3FDB];
	s0 =	simm.s32 @p2 $0x1  }
0x17: {  	s4 =	simm.s32 $0x1BF5;
	[smem:$0x3F8B] =	sst s0  }
0x18: {  	s0 =	sld [smem:$0x3F6E];
	_ =	swait.ge [sflag:s4], $0x0  }
0x19: {  	s7 =	sld [smem:$0x3F6F]  }
0x1a: {  	s8 =	sadd.s32 $0xFFFFE003, lr  }
0x1b: {  	s9 =	sadd.s32 $0xFFFFFEF7, lr;
	s5 =	simm.s32 $0xFFFFFFFF;
	p2 =	slt.u32 s8, $0xFFFFF086  }
0x1c: {  	p1 =	slt.u32 s9, $0xF7A;
	s5 =	simm.s32 @!p2 $0x0  }
0x1d: {  	s5 =	simm.s32 @p1 $0x1;
	p0 =	seq.s32 s7, s2  }
0x1e: {  	s7 =	smul.u32 @!p0 $0xF7A, s2;
	p2 =	seq.s32 @!p0 s5, $0x0  }
0x1f: {  	s9 =	smul.u32 $0xF7A, s1;
	s8 =	simm.s32 @!p0 $0x1BF5;
	p2 =	por !p2, p0  }
0x20: {  	[sflag:s8] =	ssyncset.s32 @!p0 $0xFFFFF086;
	s6 =	sadd.s32 @!p0 s3, s7;
	s7 =	simm.s32 @!p0 $0x108  }
0x21: {  	s3 =	sadd.s32 s3, s9;
	s6 =	sadd.s32 @!p0 $0x88, s6;
	s7 =	simm.s32 @p2 $0x1082  }
0x22: {  	[simem:s7], [sflag:s8] =	dma.local @!p0 [hbm:s6], $0xF7A  }
0x23: {  	s9 =	sor.u32 $0xD0000000, s2;
	s6 =	simm.s32 $0x108;
	_ =	swait.ge @!p0 [sflag:s8], $0x0  }
0x24: {  	s3 =	sadd.s32 $0x88, s3;
	s6 =	simm.s32 @!p1 $0x1082;
	[sflag:s4] =	ssyncset.s32 $0xFFFFF086  }
0x25: {  	[simem:s6], [sflag:s4] =	dma.local [hbm:s3], $0xF7A  }
0x26: {  	[smem:$0x3F6F] =	sst s1;
	(tag) =	ssettag s2;
	_ =	strace s9  }
0x27: {  	s1 =	sld [smem:$0x3F7F]  }
0x28: {  	s2 =	sld [smem:$0x3F80]  }
0x29: {  	s4 =	sld [smem:$0x3F82]  }
0x2a: {  	p0 =	seq.s32 s5, $0x0;
	s5 =	sld [smem:$0x3F83]  }
0x2b: {  	s6 =	sld [smem:$0x3F84]  }
0x2c: {  	s7 =	sld [smem:$0x3F85]  }
0x2d: {  	s3 =	simm.s32 $0x108;
	s8 =	sld [smem:$0x3F86]  }
0x2e: {  	s3 =	simm.s32 @!p0 $0x1082;
	s9 =	sld [smem:$0x3F87]  }
0x2f: {  	lr =	sadd.s32 s0, s3;
	s0 =	sld [smem:$0x3F7E]  }
0x30: {  	s3 =	sld [smem:$0x3F81]  }
0x31: {  	[smem:$0x3F8A] =	sst s10  }
0x32: {  	s10 =	sld [smem:$0x3F88];
	_ =	sdelay $0x3  }
0x33: {  	p0 =	seq.s32 s10, $0x1;
	s10 =	sld [smem:$0x3F8A];
	_ =	sdelay $0x3  }
0x34: {  	[smem:$0x3F8A] =	sst s10  }
0x35: {  	s10 =	sld [smem:$0x3F89];
	_ =	sdelay $0x3  }
0x36: {  	p1 =	seq.s32 s10, $0x1;
	s10 =	sld [smem:$0x3F8A];
	_ =	sdelay $0x3  }
0x37: {  	[smem:$0x3F8A] =	sst s10  }
0x38: {  	s10 =	sld [smem:$0x3F8B]  }
0x39: {  	_ = 	snop;
	(pc) =	sbr.ind lr, $3  }
0x3a: {  	_ = 	snop  }
0x3b: {  	_ = 	snop  }
0x3c: {  	p2 =	seq.s32 s10, $0x1;
	s10 =	sld [smem:$0x3F8A]  }
0x3d: {  	_ =	shalt  }
0x3e: {  	_ =	shalt  }
0x3f: {  	_ =	shalt  }
0x40: {  	_ =	shalt  }
0x41: {  	_ =	shalt  }
0x42: {  	_ =	shalt  }
0x43: {  	_ =	shalt  }
0x44: {  	_ =	shalt  }
0x45: {  	_ =	shalt  }
0x46: {  	_ =	shalt  }
0x47: {  	_ =	shalt  }
0x48: {  	_ =	shalt  }
0x49: {  	_ =	shalt  }
0x4a: {  	_ =	shalt  }
0x4b: {  	_ =	shalt  }
0x4c: {  	_ =	shalt  }
0x4d: {  	_ =	shalt  }
0x4e: {  	_ =	shalt  }
0x4f: {  	_ =	shalt  }
0x50: {  	_ =	shalt  }
0x51: {  	_ =	shalt  }
0x52: {  	_ =	shalt  }
0x53: {  	_ =	shalt  }
0x54: {  	_ =	shalt  }
0x55: {  	_ =	shalt  }
0x56: {  	_ =	shalt  }
0x57: {  	_ =	shalt  }
0x58: {  	_ =	shalt  }
0x59: {  	_ =	shalt  }
0x5a: {  	_ =	shalt  }
0x5b: {  	_ =	shalt  }
0x5c: {  	_ =	shalt  }
0x5d: {  	_ =	shalt  }
0x5e: {  	_ =	shalt  }
0x5f: {  	_ =	shalt  }
0x60: {  	_ =	shalt  }
0x61: {  	_ =	shalt  }
0x62: {  	_ =	shalt  }
0x63: {  	_ =	shalt  }
0x64: {  	_ =	shalt  }
0x65: {  	_ =	shalt  }
0x66: {  	_ =	shalt  }
0x67: {  	_ =	shalt  }
0x68: {  	_ =	shalt  }
0x69: {  	_ =	shalt  }
0x6a: {  	_ =	shalt  }
0x6b: {  	_ =	shalt  }
0x6c: {  	_ =	shalt  }
0x6d: {  	_ =	shalt  }
0x6e: {  	_ =	shalt  }
0x6f: {  	_ =	shalt  }
0x70: {  	_ =	shalt  }
0x71: {  	_ =	shalt  }
0x72: {  	_ =	shalt  }
0x73: {  	_ =	shalt  }
0x74: {  	_ =	shalt  }
0x75: {  	_ =	shalt  }
0x76: {  	_ =	shalt  }
0x77: {  	_ =	shalt  }
0x78: {  	_ =	shalt  }
0x79: {  	_ =	shalt  }
0x7a: {  	_ =	shalt  }
0x7b: {  	_ =	shalt  }
0x7c: {  	_ =	shalt  }
0x7d: {  	_ =	shalt  }
0x7e: {  	_ =	shalt  }
0x7f: {  	_ =	shalt  }
0x80: {  	_ =	shalt  }
0x81: {  	_ =	shalt  }
0x82: {  	_ =	shalt  }
0x83: {  	_ =	shalt  }
0x84: {  	_ =	shalt  }
0x85: {  	_ =	shalt  }
0x86: {  	_ =	shalt  }
0x87: {  	_ =	shalt  }
.Lfunc_end0:
.L_simem_size_0:
called_computation.3_lowered:
.L_overlay_start_0:
0x88: {  	s2 =	sld [smem:$0x3FD9]  }
0x89: {  	s3 =	sld [smem:$0x3FFE];
	_ =	sdelay $0x1  }
0x8a: {  	s1 =	srdreg.scid  }
0x8b: {  	s0 =	sand.u32 $0x1, s1  }
0x8c: {  	s17 =	sshll.u32 s0, $0xA;
	s2 =	sadd.s32 s3, s2  }
0x8d: {  	s2 =	sadd.s32 s2, s17  }
0x8e: {  	[smem:$0x3F96] =	sst s2  }
0x8f: {  	_ = 	snop  }
0x90: {  	(tm) =	ssettm $0x1  }
0x91: {  	s18 =	sld [smem:$0x3FFB];
	_ =	sdelay $0x3  }
0x92: {  	_ =	strace s18  }
0x93: {  	s2 =	sld [smem:$0x3FFC];
	_ =	sdelay $0x3  }
0x94: {  	_ =	strace s2  }
0x95: {  	s2 =	sld [smem:$0x3FFD];
	_ =	sdelay $0x3  }
0x96: {  	_ =	strace s2  }
0x97: {  	_ =	strace $0x8FFFFFFF  }
0x98: {  	s19 =	sld [smem:$0x3FDB];
	_ =	sdelay $0x1  }
0x99: {  	s20 =	simm.s32 $_scs_section_size  }
0x9a: {  	s4 =	simm.s32 $_size__tile_overlayer_lowered;
	s5 =	simm.s32 $_tile_overlayer_lowered  }
0x9b: {  	s6 =	simm.s32 $0x1BFF;
	s21 =	sshll.u32 s5, $0x1;
	s3 =	sadd.s32 s20, s19  }
0x9c: {  	s22 =	simm.s32 $0x0;
	s4 =	sshll.u32 s4, $0x1;
	s5 =	sadd.s32 s21, s3  }
0x9d: {  	[timem:s22], [sflag:s6] =	dma.local [hbm:s5], s4  }
0x9e: {  	_ =	swait.ge [sflag:s6], s4  }
0x9f: {  	s4 =	ssub.s32 $0x0, s4;
	[sflag:s6] =	ssyncset.done $0x0  }
0xa0: {  	[sflag:s6] =	ssyncadd.s32 s4;
	_ =	sdelay $0x1  }
0xa1: {  	s23 =	simm.s32 $0x1B8B  }
0xa2: {  	_ =	swait.ge [sflag:s23], $0x1  }
0xa3: {  	[sflag:s23] =	ssyncset.done $0x0  }
0xa4: {  	[sflag:s23] =	ssyncadd.s32 $0xFFFFFFFF  }
0xa5: {  	s4 =	sld [smem:$0x0]  }
0xa6: {  	s5 =	sand.u32 $0xFFFFFFFE, s1  }
0xa7: {  	p0 =	sne.s32 s1, s5  }
0xa8: {  	s5 =	sshll.u32 @p0 s5, $0xE  }
0xa9: {  	s5 =	sadd.s32 @p0 $0x11B8D, s5;
	s6 =	sshll.u32 @p0 s4, $0x11  }
0xaa: {  	s5 =	sor.u32 @p0 s6, s5  }
0xab: {  	[sflag:s5] =	ssyncadd.remote.s32 @p0 $0x1;
	_ =	sdelay $0x1  }
0xac: {  	s5 =	simm.s32 @p0 $0x1B8D  }
0xad: {  	_ =	swait.eq @p0 [sflag:s5], $0x1  }
0xae: {  	[sflag:s5] =	ssyncadd.s32 @p0 $0xFFFFFFFF  }
0xaf: {  	s6 =	sshll.u32 @!p0 s1, $0xE  }
0xb0: {  	s6 =	sor.u32 @!p0 $0x4000, s6;
	s5 =	simm.s32 @!p0 $0x1B8D  }
0xb1: {  	s4 =	sshll.u32 @!p0 s4, $0x11;
	s6 =	sadd.s32 @!p0 $0x11B8D, s6;
	_ =	swait.eq @!p0 [sflag:s5], $0x1  }
0xb2: {  	s4 =	sor.u32 @!p0 s4, s6;
	[sflag:s5] =	ssyncadd.s32 @!p0 $0xFFFFFFFF  }
0xb3: {  	s25 =	simm.s32 $0x1B8E;
	s24 =	sld [smem:$0x3FFE];
	[sflag:s4] =	ssyncadd.remote.s32 @!p0 $0x1  }
0xb4: {  	s26 =	simm.s32 $execute0_lowered;
	[smem:$0x3FD2] =	sst s25  }
0xb5: {  	s5 =	sshll.u32 s26, $0x1;
	_ =	strace $0x80000049;
	[dreg:$0x1] =	wrdreg $0xFFFFFFFF  }
0xb6: {  	s28 =	simm.s32 $_size_execute0_lowered;
	s3 =	sadd.s32 s3, s5;
	[dreg:$0x0] =	wrdreg $0x0  }
0xb7: {  	s5 =	sshll.u32 s28, $0x1;
	[dreg:$0x2] =	wrdreg s3  }
0xb8: {  	[dreg:$0x3] =	wrdreg s5  }
0xb9: {  	[dreg:$0x4] =	wrdreg $0xC0  }
0xba: {  	_ =	task [dreg:s22], $0x5FFFF  }
0xbb: {  	[dreg:$0x1] =	wrdreg $0xFFFFFFFF  }
0xbc: {  	[dreg:$0x0] =	wrdreg $0x60  }
0xbd: {  	[dreg:$0x2] =	wrdreg s24  }
0xbe: {  	[dreg:$0x3] =	wrdreg $0xD  }
0xbf: {  	_ =	task.clear_ibuf [dreg:s22], $0x4FFFF;
	_ =	strace $0x90000049  }
0xc0: {  	s29 =	simm.s32 $0xD;
	_ =	strace $0x8000004B  }
0xc1: {  	_ =	swait.ge [sflag:s29], $0x1  }
0xc2: {  	[sflag:s29] =	ssyncadd.s32 $0xFFFFFFFF  }
0xc3: {  	_ =	strace $0x9000004B  }
0xc4: {  	_ =	sfence  }
0xc5: {  	s30 =	sld [smem:$0x0];
	_ =	sdelay $0x2  }
0xc6: {  	s31 =	sshll.u32 s1, $0xD;
	s1 =	sshrl.u32 s1, $0x2  }
0xc7: {  	s4 =	sand.u32 $0x4000, s31;
	s1 =	sadd.s32 s1, s30  }
0xc8: {  	s0 =	sor.u32 s4, s0;
	s1 =	sshll.u32 s1, $0x11  }
0xc9: {  	s0 =	sor.u32 s1, s0  }
0xca: {  	s0 =	sadd.s32 $0x8F2B, s0  }
0xcb: {  	[sflag:s0] =	ssyncadd.remote.s32 $0x1  }
0xcc: {  	_ =	sfence.sel $0xFFFF  }
0xcd: {  	[dreg:$0x0] =	wrdreg $0xFFFFFFFF;
	(pc) =	sbr.abs _section_cstart, $3  }
0xce: {  	[dreg:$0x1] =	wrdreg $0xFFFFFFFF  }
0xcf: {  	_ =	task.clear_ibuf [dreg:s22], $0x2FFFF;
	_ =	strace $0x9FFFFFFF  }
0xd0: {  	(tm) =	ssettm $0x7FFFFFFF  }
0xd1: {  	_ =	shalt  }
tec
execute0_lowered:
.L_overlay_start_1:
0x0: {  	(tag) =	ssettag $0x1  }
0x1: {  	s7 =	rddreg [dreg:$0x0]  }
0x2: {  	s0 =	rddreg [dreg:$0x1];
	_ =	strace $0x8000004A  }
0x3: {  	s1 =	srdreg.scid;
	s4 =	simm.s32 $0x1;
	s9 =	simm.s32 $0x3  }
0x4: {  	s11 =	simm.s32 $0x0;
	p0 =	por $0x0, $0x0;
	s5 =	sshll.u32 s1, $0x4  }
.Ltmp0:
0x5: {  	s1 =	stileid.u32;
	s5 =	sand.u32 $0x10, s5;
	(pc) =	sbr.rel .LBB2_1-.Ltmp0, $4  }
0x6: {  	s2 =	sadd.s32 $0x6000, s7;
	s3 =	sadd.s32 $0x407600, s7;
	s6 =	sor.u32 s1, s5  }
0x7: {  	[sflag:s4] =	ssyncpa.u1 $0x0;
	s5 =	simm.s32 $0x2;
	s6 =	sshll.u32 s6, $0xA  }
0x8: {  	s7 =	sadd.s32 $0x456C00, s7;
	[sflag:s5] =	ssyncpa.u1 $0x0;
	s8 =	sadd.s32 $0x400, s6  }
0x9: {  	vm0 =	vmmov $0xff;
	vm1 =	vcmask $0x3F20;
	[sflag:s9] =	ssyncpa.u1 $0x0;
	s10 =	smov.u32 s6;
	s9 =	simm.s32 $0x0  }
.LBB2_7:
0xa: {  	p1 =	slt.u32 s9, $0x2;
	s11 =	sadd.s32 $0x100, s10  }
0xb: {  	s13 =	smov.u32 s6;
	s9 =	sadd.s32 $0x1, s9;
	p2 =	slt.s32 s11, s8  }
0xc: {  	s13 =	smov.u32 @p2 s11;
	p2 =	sne.s32 s9, $0x6  }
.Ltmp1:
0xd: {  	_ = 	snop;
	(pc) =	sbr.rel @!p2 .LBB2_8-.Ltmp1, $4  }
0xe: {  	s12 =	simm.s32 @!p1 $0x3  }
0xf: {  	_ =	swait.ge @!p1 [sflag:s12], $0x8000  }
0x10: {  	p0 =	por !p0, !p0;
	[sflag:s12] =	ssyncset.done @!p1 $0x0  }
0x11: {  	s11 =	smov.u32 s10;
	s10 =	smov.u32 s13;
	[sflag:s12] =	ssyncadd.s32 @!p1 $0xFFFF8000  }
.LBB2_1:
0x12: {  	p1 =	sgt.u32 s9, $0x3  }
0x13: {  	s12 =	sxor.u32 @!p1 $0xFFFFFFFF, s9  }
0x14: {  	s13 =	sshrl.u32 @!p1 s10, $0x3;
	s12 =	sshll.u32 @!p1 s12, $0x8  }
0x15: {  	s14 =	sand.u32 @!p1 $0x7, s10;
	s13 =	sadd.s32 @!p1 s3, s13;
	s12 =	sand.u32 @!p1 $0x100, s12  }
0x16: {  	[tilespmem:s12], [sflag:$0x2] =	stream.linear.gather @!p1 [hbm4b:s13+s14], $0x100, $0x38;
	[tilespmem:$0x10200] =	vst v63  }
0x17: {  	p1 =	seq.s32 s9, $0x0  }
0x18: {  	p2 =	seq.s32 @!p1 s9, $0x5  }
0x19: {  	p1 =	por p1, p2  }
.Ltmp2:
0x1a: {  	_ = 	snop;
	(pc) =	sbr.rel @p1 .LBB2_7-.Ltmp2, $1  }
0x1b: {  	_ =	sdelay $0x3  }
0x1c: {  	s12 =	simm.s32 $0x1  }
0x1d: {  	_ =	swait.ge [sflag:s5], $0x100;
	s12 =	simm.s32 @!p0 $0x0  }
0x1e: {  	[sflag:s5] =	ssyncset.done $0x0;
	s14 =	sshll.u32 s12, $0x8  }
0x1f: {  	[sflag:s5] =	ssyncadd.s32 $0xFFFFFF00;
	s13 =	sadd.s32 $0x0, s14  }
0x20: {  	v0 =	vld.msk [tilespmem:s13+$0x0 ss:$0x1], $0xffff;
	_ =	sdelay $0x4  }
0x21: {  	v1 =	vshll.u32 v0, $0x3  }
0x22: {  	vm2 =	veq.s32 v0, $0x80000000;
	v0 =	vshll.u32 v0, $0x15;
	v1 =	vand.u32 $0x1FFF80, v1  }
0x23: {  	v0 =	vand.u32 $0x1E00000, v0;
	v1 =	vsel vm2, $0xFFFFFF80, v1  }
0x24: {  	v0 =	vsel vm2, $0xFFE00000, v0;
	v2 =	vand.u32 $0xFFFFFC00, v1  }
0x25: {  	v1 =	vand.u32 $0x380, v1;
	v0 =	vadd.s32 v0, v2  }
0x26: {  	v0 =	vor.u32 v1, v0  }
0x27: {  	v0 =	vshrl.u32 v0, $0x3;
	_ =	sdelay $0x2  }
0x28: {  	s12 =	sshll.u32 s12, $0xF  }
0x29: {  	s12 =	sor.u32 $0x200, s12  }
0x2a: {  	[tilespmem:s12], [sflag:$0x1] =	stream.indirect_vreg.gather [hbm:s2], $0x80, v0, vm0, $0x38;
	[tilespmem:$0x10200] =	vst v63  }
0x2b: {  	s15 =	sadd.s32 $0x10, s14;
	s13 =	sadd.s32 $0x400, s12  }
0x2c: {  	[tilespmem:s13], [sflag:$0x1] =	stream.indirect_vreg.gather [hbm:s2], $0x80, v0, vm1, $0x38;
	[tilespmem:$0x10200] =	vst v63  }
0x2d: {  	s16 =	simm.s32 $0x80;
	v0 =	vld.msk [tilespmem:s15+$0x0 ss:$0x1], $0xffff;
	s15 =	smov.u32 s12  }
.LBB2_3:
0x2e: {  	p1 =	sne.s32 s16, $0x3C0;
	_ =	sdelay $0x4  }
0x2f: {  	v1 =	vshll.u32 v0, $0x3  }
0x30: {  	vm2 =	veq.s32 v0, $0x80000000;
	v0 =	vshll.u32 v0, $0x15;
	v1 =	vand.u32 $0x1FFF80, v1  }
0x31: {  	v0 =	vand.u32 $0x1E00000, v0;
	v1 =	vsel vm2, $0xFFFFFF80, v1  }
0x32: {  	v0 =	vsel vm2, $0xFFE00000, v0;
	v2 =	vand.u32 $0xFFFFFC00, v1  }
0x33: {  	v1 =	vand.u32 $0x380, v1;
	v0 =	vadd.s32 v0, v2  }
0x34: {  	v0 =	vor.u32 v1, v0  }
0x35: {  	v0 =	vshrl.u32 v0, $0x3;
	_ =	sdelay $0x3  }
.Ltmp3:
0x36: {  	s17 =	sshra.s32 s16, $0x2;
	s15 =	sadd.s32 $0x800, s15;
	(pc) =	sbr.rel @p1 .LBB2_3-.Ltmp3, $4  }
0x37: {  	[tilespmem:s15], [sflag:$0x1] =	stream.indirect_vreg.gather [hbm:s2], $0x80, v0, vm0, $0x38;
	[tilespmem:$0x10200] =	vst v63  }
0x38: {  	s17 =	sadd.s32 s17, s14;
	s18 =	sadd.s32 $0x400, s15  }
0x39: {  	[tilespmem:s18], [sflag:$0x1] =	stream.indirect_vreg.gather [hbm:s2], $0x80, v0, vm1, $0x38;
	[tilespmem:$0x10200] =	vst v63  }
0x3a: {  	s16 =	sadd.s32 $0x40, s16;
	v0 =	vld.msk [tilespmem:s17+$0x0 ss:$0x1], $0xffff  }
0x3b: {  	_ =	sdelay $0x3  }
0x3c: {  	v1 =	vshll.u32 v0, $0x3  }
0x3d: {  	vm2 =	veq.s32 v0, $0x80000000;
	v63 =	vshll.u32 v0, $0x15;
	v1 =	vand.u32 $0x1FFF80, v1  }
0x3e: {  	v0 =	vand.u32 $0x1E00000, v63;
	v1 =	vsel vm2, $0xFFFFFF80, v1  }
0x3f: {  	v0 =	vsel vm2, $0xFFE00000, v0;
	v2 =	vand.u32 $0xFFFFFC00, v1  }
0x40: {  	v1 =	vand.u32 $0x380, v1;
	v0 =	vadd.s32 v0, v2  }
0x41: {  	v0 =	vor.u32 v1, v0  }
0x42: {  	v0 =	vshrl.u32 v0, $0x3;
	_ =	sdelay $0x3  }
0x43: {  	s14 =	sadd.s32 $0x800, s15  }
0x44: {  	[tilespmem:s14], [sflag:$0x1] =	stream.indirect_vreg.gather [hbm:s2], $0x80, v0, vm0, $0x38;
	[tilespmem:$0x10200] =	vst v63  }
0x45: {  	s14 =	sadd.s32 $0x400, s14  }
0x46: {  	[tilespmem:s14], [sflag:$0x1] =	stream.indirect_vreg.gather [hbm:s2], $0x80, v0, vm1, $0x38;
	[tilespmem:$0x10200] =	vst v63  }
0x47: {  	s11 =	sshll.u32 s11, $0x4;
	_ =	swait.ge [sflag:s4], $0x8000  }
0x48: {  	s11 =	sadd.s32 s11, s7;
	[sflag:s4] =	ssyncset.done $0x0  }
0x49: {  	s15 =	sadd.s32 $0x0, s11;
	s14 =	simm.s32 $0x80;
	[sflag:s4] =	ssyncadd.s32 $0xFFFF8000  }
.LBB2_5:
0x4a: {  	[hbm:s15] =	stream.linear.scatter [tilespmem:s12], [sflag:$0x3], $0x400, $0x38;
	[tilespmem:$0x10200] =	vst v63  }
0x4b: {  	s15 =	smov.u32 s14;
	s12 =	smov.u32 s13;
	p1 =	sne.s32 s14, $0xF80  }
.Ltmp4:
0x4c: {  	s14 =	sadd.s32 $0x80, s14;
	(pc) =	sbr.rel @p1 .LBB2_5-.Ltmp4, $2  }
0x4d: {  	_ =	sdelay $0x2  }
0x4e: {  	s13 =	sadd.s32 $0x400, s13;
	s15 =	sadd.s32 s15, s11  }
.Ltmp5:
0x4f: {  	(pc) =	sbr.rel .LBB2_7-.Ltmp5, $2  }
0x50: {  	_ =	sdelay $0x2  }
0x51: {  	[hbm:s15] =	stream.linear.scatter [tilespmem:s12], [sflag:$0x3], $0x400, $0x38;
	[tilespmem:$0x10200] =	vst v63  }
.LBB2_8:
0x52: {  	_ =	sfence.sel $0x180000  }
0x53: {  	s2 =	simm.s32 $0x2;
	[bflag:$0x0] =	sbarrier.arrive $0xFFFF  }
0x54: {  	s30 =	simm.s32 $0x3;
	[sflag:s2] =	ssyncpa.u1 $0x1  }
0x55: {  	s31 =	simm.s32 $0x1;
	[sflag:s30] =	ssyncpa.u1 $0x1  }
0x56: {  	[sflag:s31] =	ssyncpa.u1 $0x1  }
0x57: {  	p0 =	sne.s32 s1, $0x0;
	_ =	strace $0x9000004A  }
0x58: {  	s0 =	sadd.s32 @!p0 $0x100000, s0;
	[bflag:$0x2] =	sbarrier.arrive $0xFFFF  }
0x59: {  	[sflag:s0] =	ssyncadd.tile.s32 @!p0 $0x1;
	_ =	shalt  }
.Lfunc_end2:
_tile_overlayer_lowered:
.L_overlay_start_2:
0x5a: {  	(tag) =	ssettag $0x2  }
0x5b: {  	s0 =	rddreg [dreg:$0x0];
	s2 =	stileid.u32  }
0x5c: {  	s1 =	rddreg [dreg:$0x1];
	p0 =	sne.s32 s2, $0x0  }
0x5d: {  	s3 =	rddreg [dreg:$0x2];
	[bflag:$0x3] =	sbarrier.arrive $0xFFFF;
	s2 =	simm.s32 @!p0 $0x1C01  }
0x5e: {  	[timem:s3], [sflag:s2] =	dma.local @!p0 [hbm:s0], s1  }
0x5f: {  	s0 =	simm.s32 @!p0 $0x1  }
0x60: {  	_ =	swait.ge @!p0 [sflag:s0], s1  }
0x61: {  	s1 =	ssub.s32 @!p0 $0x0, s1;
	[sflag:s0] =	ssyncset.done @!p0 $0x0  }
0x62: {  	[sflag:s0] =	ssyncadd.s32 @!p0 s1  }
0x63: {  	[bflag:$0x3] =	sbarrier.arrive $0xFFFF  }
0x64: {  	_ =	shalt  }

// kernel: gather_offload_async_start.4
scs
__scs_entry_jumppad:
0x0: {  	(pc) =	sbr.rel $0x88, $3  }
0x1: {  	(tag) =	ssettag $0x0;
	lr =	simm.s32 $0x1  }
0x2: {  	[smem:$0x3F6F] =	sst lr;
	_ =	strace $0xD0000000  }
0x3: {  	_ = 	snop  }
0x4: {  	_ = 	snop  }
0x5: {  	_ = 	snop  }
0x6: {  	_ = 	snop  }
0x7: {  	_ = 	snop  }
__scs_overlays_trampoline_lowered:
0x8: {  	[smem:$0x3F7E] =	sst s0  }
0x9: {  	[smem:$0x3F7F] =	sst s1  }
0xa: {  	[smem:$0x3F80] =	sst s2  }
0xb: {  	[smem:$0x3F81] =	sst s3  }
0xc: {  	[smem:$0x3F82] =	sst s4  }
0xd: {  	[smem:$0x3F83] =	sst s5  }
0xe: {  	[smem:$0x3F84] =	sst s6  }
0xf: {  	[smem:$0x3F85] =	sst s7  }
0x10: {  	[smem:$0x3F86] =	sst s8  }
0x11: {  	[smem:$0x3F87] =	sst s9;
	s0 =	simm.s32 @!p0 $0x0  }
0x12: {  	s1 =	sld [smem:$0x3F6D];
	s0 =	simm.s32 @p0 $0x1  }
0x13: {  	[smem:$0x3F88] =	sst s0;
	s0 =	simm.s32 @!p1 $0x0  }
0x14: {  	s2 =	sld [smem:$0x3F6C];
	s0 =	simm.s32 @p1 $0x1  }
0x15: {  	[smem:$0x3F89] =	sst s0;
	s0 =	simm.s32 @!p2 $0x0  }
0x16: {  	s3 =	sld [smem:$0x3FDB];
	s0 =	simm.s32 @p2 $0x1  }
0x17: {  	s4 =	simm.s32 $0x1BF5;
	[smem:$0x3F8B] =	sst s0  }
0x18: {  	s0 =	sld [smem:$0x3F6E];
	_ =	swait.ge [sflag:s4], $0x0  }
0x19: {  	s7 =	sld [smem:$0x3F6F]  }
0x1a: {  	s8 =	sadd.s32 $0xFFFFE003, lr  }
0x1b: {  	s9 =	sadd.s32 $0xFFFFFEF7, lr;
	s5 =	simm.s32 $0xFFFFFFFF;
	p2 =	slt.u32 s8, $0xFFFFF086  }
0x1c: {  	p1 =	slt.u32 s9, $0xF7A;
	s5 =	simm.s32 @!p2 $0x0  }
0x1d: {  	s5 =	simm.s32 @p1 $0x1;
	p0 =	seq.s32 s7, s2  }
0x1e: {  	s7 =	smul.u32 @!p0 $0xF7A, s2;
	p2 =	seq.s32 @!p0 s5, $0x0  }
0x1f: {  	s9 =	smul.u32 $0xF7A, s1;
	s8 =	simm.s32 @!p0 $0x1BF5;
	p2 =	por !p2, p0  }
0x20: {  	[sflag:s8] =	ssyncset.s32 @!p0 $0xFFFFF086;
	s6 =	sadd.s32 @!p0 s3, s7;
	s7 =	simm.s32 @!p0 $0x108  }
0x21: {  	s3 =	sadd.s32 s3, s9;
	s6 =	sadd.s32 @!p0 $0x88, s6;
	s7 =	simm.s32 @p2 $0x1082  }
0x22: {  	[simem:s7], [sflag:s8] =	dma.local @!p0 [hbm:s6], $0xF7A  }
0x23: {  	s9 =	sor.u32 $0xD0000000, s2;
	s6 =	simm.s32 $0x108;
	_ =	swait.ge @!p0 [sflag:s8], $0x0  }
0x24: {  	s3 =	sadd.s32 $0x88, s3;
	s6 =	simm.s32 @!p1 $0x1082;
	[sflag:s4] =	ssyncset.s32 $0xFFFFF086  }
0x25: {  	[simem:s6], [sflag:s4] =	dma.local [hbm:s3], $0xF7A  }
0x26: {  	[smem:$0x3F6F] =	sst s1;
	(tag) =	ssettag s2;
	_ =	strace s9  }
0x27: {  	s1 =	sld [smem:$0x3F7F]  }
0x28: {  	s2 =	sld [smem:$0x3F80]  }
0x29: {  	s4 =	sld [smem:$0x3F82]  }
0x2a: {  	p0 =	seq.s32 s5, $0x0;
	s5 =	sld [smem:$0x3F83]  }
0x2b: {  	s6 =	sld [smem:$0x3F84]  }
0x2c: {  	s7 =	sld [smem:$0x3F85]  }
0x2d: {  	s3 =	simm.s32 $0x108;
	s8 =	sld [smem:$0x3F86]  }
0x2e: {  	s3 =	simm.s32 @!p0 $0x1082;
	s9 =	sld [smem:$0x3F87]  }
0x2f: {  	lr =	sadd.s32 s0, s3;
	s0 =	sld [smem:$0x3F7E]  }
0x30: {  	s3 =	sld [smem:$0x3F81]  }
0x31: {  	[smem:$0x3F8A] =	sst s10  }
0x32: {  	s10 =	sld [smem:$0x3F88];
	_ =	sdelay $0x3  }
0x33: {  	p0 =	seq.s32 s10, $0x1;
	s10 =	sld [smem:$0x3F8A];
	_ =	sdelay $0x3  }
0x34: {  	[smem:$0x3F8A] =	sst s10  }
0x35: {  	s10 =	sld [smem:$0x3F89];
	_ =	sdelay $0x3  }
0x36: {  	p1 =	seq.s32 s10, $0x1;
	s10 =	sld [smem:$0x3F8A];
	_ =	sdelay $0x3  }
0x37: {  	[smem:$0x3F8A] =	sst s10  }
0x38: {  	s10 =	sld [smem:$0x3F8B]  }
0x39: {  	_ = 	snop;
	(pc) =	sbr.ind lr, $3  }
0x3a: {  	_ = 	snop  }
0x3b: {  	_ = 	snop  }
0x3c: {  	p2 =	seq.s32 s10, $0x1;
	s10 =	sld [smem:$0x3F8A]  }
0x3d: {  	_ =	shalt  }
0x3e: {  	_ =	shalt  }
0x3f: {  	_ =	shalt  }
0x40: {  	_ =	shalt  }
0x41: {  	_ =	shalt  }
0x42: {  	_ =	shalt  }
0x43: {  	_ =	shalt  }
0x44: {  	_ =	shalt  }
0x45: {  	_ =	shalt  }
0x46: {  	_ =	shalt  }
0x47: {  	_ =	shalt  }
0x48: {  	_ =	shalt  }
0x49: {  	_ =	shalt  }
0x4a: {  	_ =	shalt  }
0x4b: {  	_ =	shalt  }
0x4c: {  	_ =	shalt  }
0x4d: {  	_ =	shalt  }
0x4e: {  	_ =	shalt  }
0x4f: {  	_ =	shalt  }
0x50: {  	_ =	shalt  }
0x51: {  	_ =	shalt  }
0x52: {  	_ =	shalt  }
0x53: {  	_ =	shalt  }
0x54: {  	_ =	shalt  }
0x55: {  	_ =	shalt  }
0x56: {  	_ =	shalt  }
0x57: {  	_ =	shalt  }
0x58: {  	_ =	shalt  }
0x59: {  	_ =	shalt  }
0x5a: {  	_ =	shalt  }
0x5b: {  	_ =	shalt  }
0x5c: {  	_ =	shalt  }
0x5d: {  	_ =	shalt  }
0x5e: {  	_ =	shalt  }
0x5f: {  	_ =	shalt  }
0x60: {  	_ =	shalt  }
0x61: {  	_ =	shalt  }
0x62: {  	_ =	shalt  }
0x63: {  	_ =	shalt  }
0x64: {  	_ =	shalt  }
0x65: {  	_ =	shalt  }
0x66: {  	_ =	shalt  }
0x67: {  	_ =	shalt  }
0x68: {  	_ =	shalt  }
0x69: {  	_ =	shalt  }
0x6a: {  	_ =	shalt  }
0x6b: {  	_ =	shalt  }
0x6c: {  	_ =	shalt  }
0x6d: {  	_ =	shalt  }
0x6e: {  	_ =	shalt  }
0x6f: {  	_ =	shalt  }
0x70: {  	_ =	shalt  }
0x71: {  	_ =	shalt  }
0x72: {  	_ =	shalt  }
0x73: {  	_ =	shalt  }
0x74: {  	_ =	shalt  }
0x75: {  	_ =	shalt  }
0x76: {  	_ =	shalt  }
0x77: {  	_ =	shalt  }
0x78: {  	_ =	shalt  }
0x79: {  	_ =	shalt  }
0x7a: {  	_ =	shalt  }
0x7b: {  	_ =	shalt  }
0x7c: {  	_ =	shalt  }
0x7d: {  	_ =	shalt  }
0x7e: {  	_ =	shalt  }
0x7f: {  	_ =	shalt  }
0x80: {  	_ =	shalt  }
0x81: {  	_ =	shalt  }
0x82: {  	_ =	shalt  }
0x83: {  	_ =	shalt  }
0x84: {  	_ =	shalt  }
0x85: {  	_ =	shalt  }
0x86: {  	_ =	shalt  }
0x87: {  	_ =	shalt  }
.Lfunc_end0:
.L_simem_size_0:
called_computation.4_lowered:
.L_overlay_start_0:
0x88: {  	s2 =	sld [smem:$0x3FD9]  }
0x89: {  	s3 =	sld [smem:$0x3FFE];
	_ =	sdelay $0x1  }
0x8a: {  	s1 =	srdreg.scid  }
0x8b: {  	s0 =	sand.u32 $0x1, s1  }
0x8c: {  	s17 =	sshll.u32 s0, $0xA;
	s2 =	sadd.s32 s3, s2  }
0x8d: {  	s2 =	sadd.s32 s2, s17  }
0x8e: {  	[smem:$0x3F96] =	sst s2  }
0x8f: {  	_ = 	snop  }
0x90: {  	s18 =	sld [smem:$0x3FC8];
	(tm) =	ssettm $0x1  }
0x91: {  	s19 =	sld [smem:$0x3FFB];
	_ =	sdelay $0x3  }
0x92: {  	_ =	strace s19  }
0x93: {  	s2 =	sld [smem:$0x3FFC];
	_ =	sdelay $0x3  }
0x94: {  	_ =	strace s2  }
0x95: {  	s2 =	sld [smem:$0x3FFD];
	_ =	sdelay $0x3  }
0x96: {  	_ =	strace s2  }
0x97: {  	_ =	strace $0x8FFFFFFF  }
0x98: {  	s20 =	sld [smem:$0x3FDB];
	_ =	sdelay $0x1  }
0x99: {  	s4 =	simm.s32 $_scs_section_size  }
0x9a: {  	s5 =	simm.s32 $_size__tile_overlayer_lowered;
	s6 =	simm.s32 $_tile_overlayer_lowered  }
0x9b: {  	s7 =	simm.s32 $0x1BFF;
	s21 =	sshll.u32 s6, $0x1;
	s4 =	sadd.s32 s4, s20  }
0x9c: {  	s22 =	simm.s32 $0x0;
	s5 =	sshll.u32 s5, $0x1;
	s6 =	sadd.s32 s21, s4  }
0x9d: {  	[timem:s22], [sflag:s7] =	dma.local [hbm:s6], s5  }
0x9e: {  	_ =	swait.ge [sflag:s7], s5  }
0x9f: {  	s5 =	ssub.s32 $0x0, s5;
	[sflag:s7] =	ssyncset.done $0x0  }
0xa0: {  	[sflag:s7] =	ssyncadd.s32 s5;
	_ =	sdelay $0x1  }
0xa1: {  	s23 =	simm.s32 $0x1B8B  }
0xa2: {  	_ =	swait.ge [sflag:s23], $0x1  }
0xa3: {  	[sflag:s23] =	ssyncset.done $0x0  }
0xa4: {  	[sflag:s23] =	ssyncadd.s32 $0xFFFFFFFF  }
0xa5: {  	s5 =	sld [smem:$0x0]  }
0xa6: {  	s6 =	sand.u32 $0xFFFFFFFE, s1  }
0xa7: {  	p0 =	sne.s32 s1, s6  }
0xa8: {  	s6 =	sshll.u32 @p0 s6, $0xE  }
0xa9: {  	s6 =	sadd.s32 @p0 $0x11B8D, s6;
	s7 =	sshll.u32 @p0 s5, $0x11  }
0xaa: {  	s6 =	sor.u32 @p0 s7, s6  }
0xab: {  	[sflag:s6] =	ssyncadd.remote.s32 @p0 $0x1;
	_ =	sdelay $0x1  }
0xac: {  	s6 =	simm.s32 @p0 $0x1B8D  }
0xad: {  	_ =	swait.eq @p0 [sflag:s6], $0x1  }
0xae: {  	[sflag:s6] =	ssyncadd.s32 @p0 $0xFFFFFFFF  }
0xaf: {  	s7 =	sshll.u32 @!p0 s1, $0xE  }
0xb0: {  	s7 =	sor.u32 @!p0 $0x4000, s7;
	s6 =	simm.s32 @!p0 $0x1B8D  }
0xb1: {  	s5 =	sshll.u32 @!p0 s5, $0x11;
	s7 =	sadd.s32 @!p0 $0x11B8D, s7;
	_ =	swait.eq @!p0 [sflag:s6], $0x1  }
0xb2: {  	s5 =	sor.u32 @!p0 s5, s7;
	[sflag:s6] =	ssyncadd.s32 @!p0 $0xFFFFFFFF  }
0xb3: {  	s25 =	simm.s32 $0x1B8E;
	s24 =	sld [smem:$0x3FFE];
	[sflag:s5] =	ssyncadd.remote.s32 @!p0 $0x1  }
0xb4: {  	s26 =	simm.s32 $execute0_lowered;
	[smem:$0x3FD2] =	sst s25  }
0xb5: {  	s6 =	sshll.u32 s26, $0x1;
	_ =	strace $0x80000055;
	[dreg:$0x1] =	wrdreg $0xFFFFFFFF  }
0xb6: {  	s28 =	simm.s32 $_size_execute0_lowered;
	s4 =	sadd.s32 s4, s6;
	[dreg:$0x0] =	wrdreg $0x0  }
0xb7: {  	s6 =	sshll.u32 s28, $0x1;
	[dreg:$0x2] =	wrdreg s4  }
0xb8: {  	[dreg:$0x3] =	wrdreg s6  }
0xb9: {  	[dreg:$0x4] =	wrdreg $0xC0  }
0xba: {  	_ =	task [dreg:s22], $0x5FFFF  }
0xbb: {  	[dreg:$0x1] =	wrdreg $0xFFFFFFFF  }
0xbc: {  	[dreg:$0x0] =	wrdreg $0x60  }
0xbd: {  	[dreg:$0x2] =	wrdreg s18  }
0xbe: {  	[dreg:$0x3] =	wrdreg s24  }
0xbf: {  	[dreg:$0x4] =	wrdreg $0xC  }
0xc0: {  	_ =	task.clear_ibuf [dreg:s22], $0x5FFFF;
	_ =	strace $0x90000055  }
0xc1: {  	s29 =	simm.s32 $0xC;
	_ =	strace $0x80000057  }
0xc2: {  	_ =	swait.ge [sflag:s29], $0x1  }
0xc3: {  	[sflag:s29] =	ssyncadd.s32 $0xFFFFFFFF  }
0xc4: {  	_ =	strace $0x90000057  }
0xc5: {  	_ =	sfence  }
0xc6: {  	s30 =	sld [smem:$0x0];
	_ =	sdelay $0x2  }
0xc7: {  	s31 =	sshll.u32 s1, $0xD;
	s1 =	sshrl.u32 s1, $0x2  }
0xc8: {  	s4 =	sand.u32 $0x4000, s31;
	s1 =	sadd.s32 s1, s30  }
0xc9: {  	s0 =	sor.u32 s4, s0;
	s1 =	sshll.u32 s1, $0x11  }
0xca: {  	s0 =	sor.u32 s1, s0  }
0xcb: {  	s0 =	sadd.s32 $0x8F2B, s0  }
0xcc: {  	[sflag:s0] =	ssyncadd.remote.s32 $0x1  }
0xcd: {  	_ =	sfence.sel $0xFFFF  }
0xce: {  	[dreg:$0x0] =	wrdreg $0xFFFFFFFF;
	(pc) =	sbr.abs _section_cstart, $3  }
0xcf: {  	[dreg:$0x1] =	wrdreg $0xFFFFFFFF  }
0xd0: {  	_ =	task.clear_ibuf [dreg:s22], $0x2FFFF;
	_ =	strace $0x9FFFFFFF  }
0xd1: {  	(tm) =	ssettm $0x7FFFFFFF  }
tec
execute0_lowered:
.L_overlay_start_1:
0x0: {  	(tag) =	ssettag $0x1  }
0x1: {  	s2 =	rddreg [dreg:$0x0]  }
0x2: {  	s7 =	rddreg [dreg:$0x1]  }
0x3: {  	s0 =	rddreg [dreg:$0x2]  }
0x4: {  	s1 =	srdreg.scid;
	_ =	strace $0x80000056;
	s4 =	simm.s32 $0x1  }
0x5: {  	s9 =	simm.s32 $0x3;
	s11 =	simm.s32 $0x0;
	s5 =	sshll.u32 s1, $0x4  }
.Ltmp0:
0x6: {  	s1 =	stileid.u32;
	s5 =	sand.u32 $0x10, s5;
	(pc) =	sbr.rel .LBB2_1-.Ltmp0, $4  }
0x7: {  	p0 =	por $0x0, $0x0;
	s3 =	sadd.s32 $0x412C00, s7;
	s6 =	sor.u32 s1, s5  }
0x8: {  	[sflag:s4] =	ssyncpa.u1 $0x0;
	s5 =	simm.s32 $0x2;
	s6 =	sshll.u32 s6, $0xC  }
0x9: {  	s7 =	sadd.s32 $0x858400, s7;
	[sflag:s5] =	ssyncpa.u1 $0x0;
	s8 =	sadd.s32 $0x1000, s6  }
0xa: {  	vm0 =	vmmov $0xff;
	vm1 =	vcmask $0x3F20;
	[sflag:s9] =	ssyncpa.u1 $0x0;
	s10 =	smov.u32 s6;
	s9 =	simm.s32 $0x0  }
.LBB2_7:
0xb: {  	p1 =	slt.u32 s9, $0x2;
	s11 =	sadd.s32 $0x100, s10  }
0xc: {  	s13 =	smov.u32 s6;
	s9 =	sadd.s32 $0x1, s9;
	p2 =	slt.s32 s11, s8  }
0xd: {  	s13 =	smov.u32 @p2 s11;
	p2 =	sne.s32 s9, $0x12  }
.Ltmp1:
0xe: {  	_ = 	snop;
	(pc) =	sbr.rel @!p2 .LBB2_8-.Ltmp1, $4  }
0xf: {  	s12 =	simm.s32 @!p1 $0x3  }
0x10: {  	_ =	swait.ge @!p1 [sflag:s12], $0x8000  }
0x11: {  	p0 =	por !p0, !p0;
	[sflag:s12] =	ssyncset.done @!p1 $0x0  }
0x12: {  	s11 =	smov.u32 s10;
	s10 =	smov.u32 s13;
	[sflag:s12] =	ssyncadd.s32 @!p1 $0xFFFF8000  }
.LBB2_1:
0x13: {  	p1 =	sgt.u32 s9, $0xF  }
0x14: {  	s12 =	sxor.u32 @!p1 $0xFFFFFFFF, s9  }
0x15: {  	s13 =	sshrl.u32 @!p1 s10, $0x3;
	s12 =	sshll.u32 @!p1 s12, $0x8  }
0x16: {  	s14 =	sand.u32 @!p1 $0x7, s10;
	s13 =	sadd.s32 @!p1 s3, s13;
	s12 =	sand.u32 @!p1 $0x100, s12  }
0x17: {  	[tilespmem:s12], [sflag:$0x2] =	stream.linear.gather @!p1 [hbm4b:s13+s14], $0x100, $0x38;
	[tilespmem:$0x10200] =	vst v63  }
0x18: {  	p1 =	seq.s32 s9, $0x0  }
0x19: {  	p2 =	seq.s32 @!p1 s9, $0x11  }
0x1a: {  	p1 =	por p1, p2  }
.Ltmp2:
0x1b: {  	_ = 	snop;
	(pc) =	sbr.rel @p1 .LBB2_7-.Ltmp2, $1  }
0x1c: {  	_ =	sdelay $0x3  }
0x1d: {  	s12 =	simm.s32 $0x1  }
0x1e: {  	_ =	swait.ge [sflag:s5], $0x100;
	s12 =	simm.s32 @!p0 $0x0  }
0x1f: {  	[sflag:s5] =	ssyncset.done $0x0;
	s14 =	sshll.u32 s12, $0x8  }
0x20: {  	[sflag:s5] =	ssyncadd.s32 $0xFFFFFF00;
	s13 =	sadd.s32 $0x0, s14  }
0x21: {  	v0 =	vld.msk [tilespmem:s13+$0x0 ss:$0x1], $0xffff;
	_ =	sdelay $0x4  }
0x22: {  	v1 =	vshll.u32 v0, $0x3  }
0x23: {  	vm2 =	veq.s32 v0, $0x80000000;
	v0 =	vshll.u32 v0, $0x15;
	v1 =	vand.u32 $0x1FFF80, v1  }
0x24: {  	v0 =	vand.u32 $0x1E00000, v0;
	v1 =	vsel vm2, $0xFFFFFF80, v1  }
0x25: {  	v0 =	vsel vm2, $0xFFE00000, v0;
	v2 =	vand.u32 $0xFFFFFC00, v1  }
0x26: {  	v1 =	vand.u32 $0x380, v1;
	v0 =	vadd.s32 v0, v2  }
0x27: {  	v0 =	vor.u32 v1, v0  }
0x28: {  	v0 =	vshrl.u32 v0, $0x3;
	_ =	sdelay $0x2  }
0x29: {  	s12 =	sshll.u32 s12, $0xF  }
0x2a: {  	s12 =	sor.u32 $0x200, s12  }
0x2b: {  	[tilespmem:s12], [sflag:$0x1] =	stream.indirect_vreg.gather [hbm:s2], $0x80, v0, vm0, $0x38;
	[tilespmem:$0x10200] =	vst v63  }
0x2c: {  	s15 =	sadd.s32 $0x10, s14;
	s13 =	sadd.s32 $0x400, s12  }
0x2d: {  	[tilespmem:s13], [sflag:$0x1] =	stream.indirect_vreg.gather [hbm:s2], $0x80, v0, vm1, $0x38;
	[tilespmem:$0x10200] =	vst v63  }
0x2e: {  	s16 =	simm.s32 $0x80;
	v0 =	vld.msk [tilespmem:s15+$0x0 ss:$0x1], $0xffff;
	s15 =	smov.u32 s12  }
.LBB2_3:
0x2f: {  	p1 =	sne.s32 s16, $0x3C0;
	_ =	sdelay $0x4  }
0x30: {  	v1 =	vshll.u32 v0, $0x3  }
0x31: {  	vm2 =	veq.s32 v0, $0x80000000;
	v0 =	vshll.u32 v0, $0x15;
	v1 =	vand.u32 $0x1FFF80, v1  }
0x32: {  	v0 =	vand.u32 $0x1E00000, v0;
	v1 =	vsel vm2, $0xFFFFFF80, v1  }
0x33: {  	v0 =	vsel vm2, $0xFFE00000, v0;
	v2 =	vand.u32 $0xFFFFFC00, v1  }
0x34: {  	v1 =	vand.u32 $0x380, v1;
	v0 =	vadd.s32 v0, v2  }
0x35: {  	v0 =	vor.u32 v1, v0  }
0x36: {  	v0 =	vshrl.u32 v0, $0x3;
	_ =	sdelay $0x3  }
.Ltmp3:
0x37: {  	s17 =	sshra.s32 s16, $0x2;
	s15 =	sadd.s32 $0x800, s15;
	(pc) =	sbr.rel @p1 .LBB2_3-.Ltmp3, $4  }
0x38: {  	[tilespmem:s15], [sflag:$0x1] =	stream.indirect_vreg.gather [hbm:s2], $0x80, v0, vm0, $0x38;
	[tilespmem:$0x10200] =	vst v63  }
0x39: {  	s17 =	sadd.s32 s17, s14;
	s18 =	sadd.s32 $0x400, s15  }
0x3a: {  	[tilespmem:s18], [sflag:$0x1] =	stream.indirect_vreg.gather [hbm:s2], $0x80, v0, vm1, $0x38;
	[tilespmem:$0x10200] =	vst v63  }
0x3b: {  	s16 =	sadd.s32 $0x40, s16;
	v0 =	vld.msk [tilespmem:s17+$0x0 ss:$0x1], $0xffff  }
0x3c: {  	_ =	sdelay $0x3  }
0x3d: {  	v1 =	vshll.u32 v0, $0x3  }
0x3e: {  	vm2 =	veq.s32 v0, $0x80000000;
	v63 =	vshll.u32 v0, $0x15;
	v1 =	vand.u32 $0x1FFF80, v1  }
0x3f: {  	v0 =	vand.u32 $0x1E00000, v63;
	v1 =	vsel vm2, $0xFFFFFF80, v1  }
0x40: {  	v0 =	vsel vm2, $0xFFE00000, v0;
	v2 =	vand.u32 $0xFFFFFC00, v1  }
0x41: {  	v1 =	vand.u32 $0x380, v1;
	v0 =	vadd.s32 v0, v2  }
0x42: {  	v0 =	vor.u32 v1, v0  }
0x43: {  	v0 =	vshrl.u32 v0, $0x3;
	_ =	sdelay $0x3  }
0x44: {  	s14 =	sadd.s32 $0x800, s15  }
0x45: {  	[tilespmem:s14], [sflag:$0x1] =	stream.indirect_vreg.gather [hbm:s2], $0x80, v0, vm0, $0x38;
	[tilespmem:$0x10200] =	vst v63  }
0x46: {  	s14 =	sadd.s32 $0x400, s14  }
0x47: {  	[tilespmem:s14], [sflag:$0x1] =	stream.indirect_vreg.gather [hbm:s2], $0x80, v0, vm1, $0x38;
	[tilespmem:$0x10200] =	vst v63  }
0x48: {  	s11 =	sshll.u32 s11, $0x4;
	_ =	swait.ge [sflag:s4], $0x8000  }
0x49: {  	s11 =	sadd.s32 s11, s7;
	[sflag:s4] =	ssyncset.done $0x0  }
0x4a: {  	s15 =	sadd.s32 $0x0, s11;
	s14 =	simm.s32 $0x80;
	[sflag:s4] =	ssyncadd.s32 $0xFFFF8000  }
.LBB2_5:
0x4b: {  	[hbm:s15] =	stream.linear.scatter [tilespmem:s12], [sflag:$0x3], $0x400, $0x38;
	[tilespmem:$0x10200] =	vst v63  }
0x4c: {  	s15 =	smov.u32 s14;
	s12 =	smov.u32 s13;
	p1 =	sne.s32 s14, $0xF80  }
.Ltmp4:
0x4d: {  	s14 =	sadd.s32 $0x80, s14;
	(pc) =	sbr.rel @p1 .LBB2_5-.Ltmp4, $2  }
0x4e: {  	_ =	sdelay $0x2  }
0x4f: {  	s13 =	sadd.s32 $0x400, s13;
	s15 =	sadd.s32 s15, s11  }
.Ltmp5:
0x50: {  	(pc) =	sbr.rel .LBB2_7-.Ltmp5, $2  }
0x51: {  	_ =	sdelay $0x2  }
0x52: {  	[hbm:s15] =	stream.linear.scatter [tilespmem:s12], [sflag:$0x3], $0x400, $0x38;
	[tilespmem:$0x10200] =	vst v63  }
.LBB2_8:
0x53: {  	_ =	sfence.sel $0x180000  }
0x54: {  	s2 =	simm.s32 $0x2;
	[bflag:$0x0] =	sbarrier.arrive $0xFFFF  }
0x55: {  	s30 =	simm.s32 $0x3;
	[sflag:s2] =	ssyncpa.u1 $0x1  }
0x56: {  	s31 =	simm.s32 $0x1;
	[sflag:s30] =	ssyncpa.u1 $0x1  }
0x57: {  	[sflag:s31] =	ssyncpa.u1 $0x1  }
0x58: {  	p0 =	sne.s32 s1, $0x0;
	_ =	strace $0x90000056  }
0x59: {  	s0 =	sadd.s32 @!p0 $0x100000, s0;
	[bflag:$0x2] =	sbarrier.arrive $0xFFFF  }
0x5a: {  	[sflag:s0] =	ssyncadd.tile.s32 @!p0 $0x1;
	_ =	shalt  }
.Lfunc_end2:
_tile_overlayer_lowered:
.L_overlay_start_2:
0x5b: {  	(tag) =	ssettag $0x2  }
0x5c: {  	s0 =	rddreg [dreg:$0x0];
	s2 =	stileid.u32  }
0x5d: {  	s1 =	rddreg [dreg:$0x1];
	p0 =	sne.s32 s2, $0x0  }
0x5e: {  	s3 =	rddreg [dreg:$0x2];
	[bflag:$0x3] =	sbarrier.arrive $0xFFFF;
	s2 =	simm.s32 @!p0 $0x1C01  }
0x5f: {  	[timem:s3], [sflag:s2] =	dma.local @!p0 [hbm:s0], s1  }
0x60: {  	s0 =	simm.s32 @!p0 $0x1  }
0x61: {  	_ =	swait.ge @!p0 [sflag:s0], s1  }
0x62: {  	s1 =	ssub.s32 @!p0 $0x0, s1;
	[sflag:s0] =	ssyncset.done @!p0 $0x0  }
0x63: {  	[sflag:s0] =	ssyncadd.s32 @!p0 s1  }
0x64: {  	[bflag:$0x3] =	sbarrier.arrive $0xFFFF  }
0x65: {  	_ =	shalt  }

// kernel: gather_offload_async_start.5
scs
__scs_entry_jumppad:
0x0: {  	(pc) =	sbr.rel $0x88, $3  }
0x1: {  	(tag) =	ssettag $0x0;
	lr =	simm.s32 $0x1  }
0x2: {  	[smem:$0x3F6F] =	sst lr;
	_ =	strace $0xD0000000  }
0x3: {  	_ = 	snop  }
0x4: {  	_ = 	snop  }
0x5: {  	_ = 	snop  }
0x6: {  	_ = 	snop  }
0x7: {  	_ = 	snop  }
__scs_overlays_trampoline_lowered:
0x8: {  	[smem:$0x3F7E] =	sst s0  }
0x9: {  	[smem:$0x3F7F] =	sst s1  }
0xa: {  	[smem:$0x3F80] =	sst s2  }
0xb: {  	[smem:$0x3F81] =	sst s3  }
0xc: {  	[smem:$0x3F82] =	sst s4  }
0xd: {  	[smem:$0x3F83] =	sst s5  }
0xe: {  	[smem:$0x3F84] =	sst s6  }
0xf: {  	[smem:$0x3F85] =	sst s7  }
0x10: {  	[smem:$0x3F86] =	sst s8  }
0x11: {  	[smem:$0x3F87] =	sst s9;
	s0 =	simm.s32 @!p0 $0x0  }
0x12: {  	s1 =	sld [smem:$0x3F6D];
	s0 =	simm.s32 @p0 $0x1  }
0x13: {  	[smem:$0x3F88] =	sst s0;
	s0 =	simm.s32 @!p1 $0x0  }
0x14: {  	s2 =	sld [smem:$0x3F6C];
	s0 =	simm.s32 @p1 $0x1  }
0x15: {  	[smem:$0x3F89] =	sst s0;
	s0 =	simm.s32 @!p2 $0x0  }
0x16: {  	s3 =	sld [smem:$0x3FDB];
	s0 =	simm.s32 @p2 $0x1  }
0x17: {  	s4 =	simm.s32 $0x1BF5;
	[smem:$0x3F8B] =	sst s0  }
0x18: {  	s0 =	sld [smem:$0x3F6E];
	_ =	swait.ge [sflag:s4], $0x0  }
0x19: {  	s7 =	sld [smem:$0x3F6F]  }
0x1a: {  	s8 =	sadd.s32 $0xFFFFE003, lr  }
0x1b: {  	s9 =	sadd.s32 $0xFFFFFEF7, lr;
	s5 =	simm.s32 $0xFFFFFFFF;
	p2 =	slt.u32 s8, $0xFFFFF086  }
0x1c: {  	p1 =	slt.u32 s9, $0xF7A;
	s5 =	simm.s32 @!p2 $0x0  }
0x1d: {  	s5 =	simm.s32 @p1 $0x1;
	p0 =	seq.s32 s7, s2  }
0x1e: {  	s7 =	smul.u32 @!p0 $0xF7A, s2;
	p2 =	seq.s32 @!p0 s5, $0x0  }
0x1f: {  	s9 =	smul.u32 $0xF7A, s1;
	s8 =	simm.s32 @!p0 $0x1BF5;
	p2 =	por !p2, p0  }
0x20: {  	[sflag:s8] =	ssyncset.s32 @!p0 $0xFFFFF086;
	s6 =	sadd.s32 @!p0 s3, s7;
	s7 =	simm.s32 @!p0 $0x108  }
0x21: {  	s3 =	sadd.s32 s3, s9;
	s6 =	sadd.s32 @!p0 $0x88, s6;
	s7 =	simm.s32 @p2 $0x1082  }
0x22: {  	[simem:s7], [sflag:s8] =	dma.local @!p0 [hbm:s6], $0xF7A  }
0x23: {  	s9 =	sor.u32 $0xD0000000, s2;
	s6 =	simm.s32 $0x108;
	_ =	swait.ge @!p0 [sflag:s8], $0x0  }
0x24: {  	s3 =	sadd.s32 $0x88, s3;
	s6 =	simm.s32 @!p1 $0x1082;
	[sflag:s4] =	ssyncset.s32 $0xFFFFF086  }
0x25: {  	[simem:s6], [sflag:s4] =	dma.local [hbm:s3], $0xF7A  }
0x26: {  	[smem:$0x3F6F] =	sst s1;
	(tag) =	ssettag s2;
	_ =	strace s9  }
0x27: {  	s1 =	sld [smem:$0x3F7F]  }
0x28: {  	s2 =	sld [smem:$0x3F80]  }
0x29: {  	s4 =	sld [smem:$0x3F82]  }
0x2a: {  	p0 =	seq.s32 s5, $0x0;
	s5 =	sld [smem:$0x3F83]  }
0x2b: {  	s6 =	sld [smem:$0x3F84]  }
0x2c: {  	s7 =	sld [smem:$0x3F85]  }
0x2d: {  	s3 =	simm.s32 $0x108;
	s8 =	sld [smem:$0x3F86]  }
0x2e: {  	s3 =	simm.s32 @!p0 $0x1082;
	s9 =	sld [smem:$0x3F87]  }
0x2f: {  	lr =	sadd.s32 s0, s3;
	s0 =	sld [smem:$0x3F7E]  }
0x30: {  	s3 =	sld [smem:$0x3F81]  }
0x31: {  	[smem:$0x3F8A] =	sst s10  }
0x32: {  	s10 =	sld [smem:$0x3F88];
	_ =	sdelay $0x3  }
0x33: {  	p0 =	seq.s32 s10, $0x1;
	s10 =	sld [smem:$0x3F8A];
	_ =	sdelay $0x3  }
0x34: {  	[smem:$0x3F8A] =	sst s10  }
0x35: {  	s10 =	sld [smem:$0x3F89];
	_ =	sdelay $0x3  }
0x36: {  	p1 =	seq.s32 s10, $0x1;
	s10 =	sld [smem:$0x3F8A];
	_ =	sdelay $0x3  }
0x37: {  	[smem:$0x3F8A] =	sst s10  }
0x38: {  	s10 =	sld [smem:$0x3F8B]  }
0x39: {  	_ = 	snop;
	(pc) =	sbr.ind lr, $3  }
0x3a: {  	_ = 	snop  }
0x3b: {  	_ = 	snop  }
0x3c: {  	p2 =	seq.s32 s10, $0x1;
	s10 =	sld [smem:$0x3F8A]  }
0x3d: {  	_ =	shalt  }
0x3e: {  	_ =	shalt  }
0x3f: {  	_ =	shalt  }
0x40: {  	_ =	shalt  }
0x41: {  	_ =	shalt  }
0x42: {  	_ =	shalt  }
0x43: {  	_ =	shalt  }
0x44: {  	_ =	shalt  }
0x45: {  	_ =	shalt  }
0x46: {  	_ =	shalt  }
0x47: {  	_ =	shalt  }
0x48: {  	_ =	shalt  }
0x49: {  	_ =	shalt  }
0x4a: {  	_ =	shalt  }
0x4b: {  	_ =	shalt  }
0x4c: {  	_ =	shalt  }
0x4d: {  	_ =	shalt  }
0x4e: {  	_ =	shalt  }
0x4f: {  	_ =	shalt  }
0x50: {  	_ =	shalt  }
0x51: {  	_ =	shalt  }
0x52: {  	_ =	shalt  }
0x53: {  	_ =	shalt  }
0x54: {  	_ =	shalt  }
0x55: {  	_ =	shalt  }
0x56: {  	_ =	shalt  }
0x57: {  	_ =	shalt  }
0x58: {  	_ =	shalt  }
0x59: {  	_ =	shalt  }
0x5a: {  	_ =	shalt  }
0x5b: {  	_ =	shalt  }
0x5c: {  	_ =	shalt  }
0x5d: {  	_ =	shalt  }
0x5e: {  	_ =	shalt  }
0x5f: {  	_ =	shalt  }
0x60: {  	_ =	shalt  }
0x61: {  	_ =	shalt  }
0x62: {  	_ =	shalt  }
0x63: {  	_ =	shalt  }
0x64: {  	_ =	shalt  }
0x65: {  	_ =	shalt  }
0x66: {  	_ =	shalt  }
0x67: {  	_ =	shalt  }
0x68: {  	_ =	shalt  }
0x69: {  	_ =	shalt  }
0x6a: {  	_ =	shalt  }
0x6b: {  	_ =	shalt  }
0x6c: {  	_ =	shalt  }
0x6d: {  	_ =	shalt  }
0x6e: {  	_ =	shalt  }
0x6f: {  	_ =	shalt  }
0x70: {  	_ =	shalt  }
0x71: {  	_ =	shalt  }
0x72: {  	_ =	shalt  }
0x73: {  	_ =	shalt  }
0x74: {  	_ =	shalt  }
0x75: {  	_ =	shalt  }
0x76: {  	_ =	shalt  }
0x77: {  	_ =	shalt  }
0x78: {  	_ =	shalt  }
0x79: {  	_ =	shalt  }
0x7a: {  	_ =	shalt  }
0x7b: {  	_ =	shalt  }
0x7c: {  	_ =	shalt  }
0x7d: {  	_ =	shalt  }
0x7e: {  	_ =	shalt  }
0x7f: {  	_ =	shalt  }
0x80: {  	_ =	shalt  }
0x81: {  	_ =	shalt  }
0x82: {  	_ =	shalt  }
0x83: {  	_ =	shalt  }
0x84: {  	_ =	shalt  }
0x85: {  	_ =	shalt  }
0x86: {  	_ =	shalt  }
0x87: {  	_ =	shalt  }
.Lfunc_end0:
.L_simem_size_0:
called_computation.5_lowered:
.L_overlay_start_0:
0x88: {  	s2 =	sld [smem:$0x3FD9]  }
0x89: {  	s3 =	sld [smem:$0x3FFE];
	_ =	sdelay $0x1  }
0x8a: {  	s1 =	srdreg.scid  }
0x8b: {  	s0 =	sand.u32 $0x1, s1  }
0x8c: {  	s17 =	sshll.u32 s0, $0xA;
	s2 =	sadd.s32 s3, s2  }
0x8d: {  	s2 =	sadd.s32 s2, s17  }
0x8e: {  	[smem:$0x3F96] =	sst s2  }
0x8f: {  	_ = 	snop  }
0x90: {  	(tm) =	ssettm $0x1  }
0x91: {  	s18 =	sld [smem:$0x3FFB];
	_ =	sdelay $0x3  }
0x92: {  	_ =	strace s18  }
0x93: {  	s2 =	sld [smem:$0x3FFC];
	_ =	sdelay $0x3  }
0x94: {  	_ =	strace s2  }
0x95: {  	s2 =	sld [smem:$0x3FFD];
	_ =	sdelay $0x3  }
0x96: {  	_ =	strace s2  }
0x97: {  	_ =	strace $0x8FFFFFFF  }
0x98: {  	s19 =	sld [smem:$0x3FDB];
	_ =	sdelay $0x1  }
0x99: {  	s20 =	simm.s32 $_scs_section_size  }
0x9a: {  	s4 =	simm.s32 $_size__tile_overlayer_lowered;
	s5 =	simm.s32 $_tile_overlayer_lowered  }
0x9b: {  	s6 =	simm.s32 $0x1BFF;
	s21 =	sshll.u32 s5, $0x1;
	s3 =	sadd.s32 s20, s19  }
0x9c: {  	s22 =	simm.s32 $0x0;
	s4 =	sshll.u32 s4, $0x1;
	s5 =	sadd.s32 s21, s3  }
0x9d: {  	[timem:s22], [sflag:s6] =	dma.local [hbm:s5], s4  }
0x9e: {  	_ =	swait.ge [sflag:s6], s4  }
0x9f: {  	s4 =	ssub.s32 $0x0, s4;
	[sflag:s6] =	ssyncset.done $0x0  }
0xa0: {  	[sflag:s6] =	ssyncadd.s32 s4;
	_ =	sdelay $0x1  }
0xa1: {  	s23 =	simm.s32 $0x1B8B  }
0xa2: {  	_ =	swait.ge [sflag:s23], $0x1  }
0xa3: {  	[sflag:s23] =	ssyncset.done $0x0  }
0xa4: {  	[sflag:s23] =	ssyncadd.s32 $0xFFFFFFFF  }
0xa5: {  	s4 =	sld [smem:$0x0]  }
0xa6: {  	s5 =	sand.u32 $0xFFFFFFFE, s1  }
0xa7: {  	p0 =	sne.s32 s1, s5  }
0xa8: {  	s5 =	sshll.u32 @p0 s5, $0xE  }
0xa9: {  	s5 =	sadd.s32 @p0 $0x11B8D, s5;
	s6 =	sshll.u32 @p0 s4, $0x11  }
0xaa: {  	s5 =	sor.u32 @p0 s6, s5  }
0xab: {  	[sflag:s5] =	ssyncadd.remote.s32 @p0 $0x1;
	_ =	sdelay $0x1  }
0xac: {  	s5 =	simm.s32 @p0 $0x1B8D  }
0xad: {  	_ =	swait.eq @p0 [sflag:s5], $0x1  }
0xae: {  	[sflag:s5] =	ssyncadd.s32 @p0 $0xFFFFFFFF  }
0xaf: {  	s6 =	sshll.u32 @!p0 s1, $0xE  }
0xb0: {  	s6 =	sor.u32 @!p0 $0x4000, s6;
	s5 =	simm.s32 @!p0 $0x1B8D  }
0xb1: {  	s4 =	sshll.u32 @!p0 s4, $0x11;
	s6 =	sadd.s32 @!p0 $0x11B8D, s6;
	_ =	swait.eq @!p0 [sflag:s5], $0x1  }
0xb2: {  	s4 =	sor.u32 @!p0 s4, s6;
	[sflag:s5] =	ssyncadd.s32 @!p0 $0xFFFFFFFF  }
0xb3: {  	s25 =	simm.s32 $0x1B8E;
	s24 =	sld [smem:$0x3FFE];
	[sflag:s4] =	ssyncadd.remote.s32 @!p0 $0x1  }
0xb4: {  	s26 =	simm.s32 $execute0_lowered;
	[smem:$0x3FD2] =	sst s25  }
0xb5: {  	s5 =	sshll.u32 s26, $0x1;
	_ =	strace $0x8000004C;
	[dreg:$0x1] =	wrdreg $0xFFFFFFFF  }
0xb6: {  	s28 =	simm.s32 $_size_execute0_lowered;
	s3 =	sadd.s32 s3, s5;
	[dreg:$0x0] =	wrdreg $0x0  }
0xb7: {  	s5 =	sshll.u32 s28, $0x1;
	[dreg:$0x2] =	wrdreg s3  }
0xb8: {  	[dreg:$0x3] =	wrdreg s5  }
0xb9: {  	[dreg:$0x4] =	wrdreg $0xC0  }
0xba: {  	_ =	task [dreg:s22], $0x5FFFF  }
0xbb: {  	[dreg:$0x1] =	wrdreg $0xFFFFFFFF  }
0xbc: {  	[dreg:$0x0] =	wrdreg $0x60  }
0xbd: {  	[dreg:$0x2] =	wrdreg s24  }
0xbe: {  	[dreg:$0x3] =	wrdreg $0xB  }
0xbf: {  	_ =	task.clear_ibuf [dreg:s22], $0x4FFFF;
	_ =	strace $0x9000004C  }
0xc0: {  	s29 =	simm.s32 $0xB;
	_ =	strace $0x8000004E  }
0xc1: {  	_ =	swait.ge [sflag:s29], $0x1  }
0xc2: {  	[sflag:s29] =	ssyncadd.s32 $0xFFFFFFFF  }
0xc3: {  	_ =	strace $0x9000004E  }
0xc4: {  	_ =	sfence  }
0xc5: {  	s30 =	sld [smem:$0x0];
	_ =	sdelay $0x2  }
0xc6: {  	s31 =	sshll.u32 s1, $0xD;
	s1 =	sshrl.u32 s1, $0x2  }
0xc7: {  	s4 =	sand.u32 $0x4000, s31;
	s1 =	sadd.s32 s1, s30  }
0xc8: {  	s0 =	sor.u32 s4, s0;
	s1 =	sshll.u32 s1, $0x11  }
0xc9: {  	s0 =	sor.u32 s1, s0  }
0xca: {  	s0 =	sadd.s32 $0x8F2B, s0  }
0xcb: {  	[sflag:s0] =	ssyncadd.remote.s32 $0x1  }
0xcc: {  	_ =	sfence.sel $0xFFFF  }
0xcd: {  	[dreg:$0x0] =	wrdreg $0xFFFFFFFF;
	(pc) =	sbr.abs _section_cstart, $3  }
0xce: {  	[dreg:$0x1] =	wrdreg $0xFFFFFFFF  }
0xcf: {  	_ =	task.clear_ibuf [dreg:s22], $0x2FFFF;
	_ =	strace $0x9FFFFFFF  }
0xd0: {  	(tm) =	ssettm $0x7FFFFFFF  }
0xd1: {  	_ =	shalt  }
tec
execute0_lowered:
.L_overlay_start_1:
0x0: {  	(tag) =	ssettag $0x1  }
0x1: {  	s7 =	rddreg [dreg:$0x0]  }
0x2: {  	s0 =	rddreg [dreg:$0x1];
	_ =	strace $0x8000004D  }
0x3: {  	s1 =	srdreg.scid;
	s4 =	simm.s32 $0x1;
	s9 =	simm.s32 $0x3  }
0x4: {  	s11 =	simm.s32 $0x0;
	p0 =	por $0x0, $0x0;
	s5 =	sshll.u32 s1, $0x4  }
.Ltmp0:
0x5: {  	s1 =	stileid.u32;
	s5 =	sand.u32 $0x10, s5;
	(pc) =	sbr.rel .LBB2_1-.Ltmp0, $4  }
0x6: {  	s2 =	sadd.s32 $0x6000, s7;
	s3 =	sadd.s32 $0x412C00, s7;
	s6 =	sor.u32 s1, s5  }
0x7: {  	[sflag:s4] =	ssyncpa.u1 $0x0;
	s5 =	simm.s32 $0x2;
	s6 =	sshll.u32 s6, $0xC  }
0x8: {  	s7 =	sadd.s32 $0x4D6C00, s7;
	[sflag:s5] =	ssyncpa.u1 $0x0;
	s8 =	sadd.s32 $0x1000, s6  }
0x9: {  	vm0 =	vmmov $0xff;
	vm1 =	vcmask $0x3F20;
	[sflag:s9] =	ssyncpa.u1 $0x0;
	s10 =	smov.u32 s6;
	s9 =	simm.s32 $0x0  }
.LBB2_7:
0xa: {  	p1 =	slt.u32 s9, $0x2;
	s11 =	sadd.s32 $0x100, s10  }
0xb: {  	s13 =	smov.u32 s6;
	s9 =	sadd.s32 $0x1, s9;
	p2 =	slt.s32 s11, s8  }
0xc: {  	s13 =	smov.u32 @p2 s11;
	p2 =	sne.s32 s9, $0x12  }
.Ltmp1:
0xd: {  	_ = 	snop;
	(pc) =	sbr.rel @!p2 .LBB2_8-.Ltmp1, $4  }
0xe: {  	s12 =	simm.s32 @!p1 $0x3  }
0xf: {  	_ =	swait.ge @!p1 [sflag:s12], $0x8000  }
0x10: {  	p0 =	por !p0, !p0;
	[sflag:s12] =	ssyncset.done @!p1 $0x0  }
0x11: {  	s11 =	smov.u32 s10;
	s10 =	smov.u32 s13;
	[sflag:s12] =	ssyncadd.s32 @!p1 $0xFFFF8000  }
.LBB2_1:
0x12: {  	p1 =	sgt.u32 s9, $0xF  }
0x13: {  	s12 =	sxor.u32 @!p1 $0xFFFFFFFF, s9  }
0x14: {  	s13 =	sshrl.u32 @!p1 s10, $0x3;
	s12 =	sshll.u32 @!p1 s12, $0x8  }
0x15: {  	s14 =	sand.u32 @!p1 $0x7, s10;
	s13 =	sadd.s32 @!p1 s3, s13;
	s12 =	sand.u32 @!p1 $0x100, s12  }
0x16: {  	[tilespmem:s12], [sflag:$0x2] =	stream.linear.gather @!p1 [hbm4b:s13+s14], $0x100, $0x38;
	[tilespmem:$0x10200] =	vst v63  }
0x17: {  	p1 =	seq.s32 s9, $0x0  }
0x18: {  	p2 =	seq.s32 @!p1 s9, $0x11  }
0x19: {  	p1 =	por p1, p2  }
.Ltmp2:
0x1a: {  	_ = 	snop;
	(pc) =	sbr.rel @p1 .LBB2_7-.Ltmp2, $1  }
0x1b: {  	_ =	sdelay $0x3  }
0x1c: {  	s12 =	simm.s32 $0x1  }
0x1d: {  	_ =	swait.ge [sflag:s5], $0x100;
	s12 =	simm.s32 @!p0 $0x0  }
0x1e: {  	[sflag:s5] =	ssyncset.done $0x0;
	s14 =	sshll.u32 s12, $0x8  }
0x1f: {  	[sflag:s5] =	ssyncadd.s32 $0xFFFFFF00;
	s13 =	sadd.s32 $0x0, s14  }
0x20: {  	v0 =	vld.msk [tilespmem:s13+$0x0 ss:$0x1], $0xffff;
	_ =	sdelay $0x4  }
0x21: {  	v1 =	vshll.u32 v0, $0x3  }
0x22: {  	vm2 =	veq.s32 v0, $0x80000000;
	v0 =	vshll.u32 v0, $0x15;
	v1 =	vand.u32 $0x1FFF80, v1  }
0x23: {  	v0 =	vand.u32 $0x1E00000, v0;
	v1 =	vsel vm2, $0xFFFFFF80, v1  }
0x24: {  	v0 =	vsel vm2, $0xFFE00000, v0;
	v2 =	vand.u32 $0xFFFFFC00, v1  }
0x25: {  	v1 =	vand.u32 $0x380, v1;
	v0 =	vadd.s32 v0, v2  }
0x26: {  	v0 =	vor.u32 v1, v0  }
0x27: {  	v0 =	vshrl.u32 v0, $0x3;
	_ =	sdelay $0x2  }
0x28: {  	s12 =	sshll.u32 s12, $0xF  }
0x29: {  	s12 =	sor.u32 $0x200, s12  }
0x2a: {  	[tilespmem:s12], [sflag:$0x1] =	stream.indirect_vreg.gather [hbm:s2], $0x80, v0, vm0, $0x38;
	[tilespmem:$0x10200] =	vst v63  }
0x2b: {  	s15 =	sadd.s32 $0x10, s14;
	s13 =	sadd.s32 $0x400, s12  }
0x2c: {  	[tilespmem:s13], [sflag:$0x1] =	stream.indirect_vreg.gather [hbm:s2], $0x80, v0, vm1, $0x38;
	[tilespmem:$0x10200] =	vst v63  }
0x2d: {  	s16 =	simm.s32 $0x80;
	v0 =	vld.msk [tilespmem:s15+$0x0 ss:$0x1], $0xffff;
	s15 =	smov.u32 s12  }
.LBB2_3:
0x2e: {  	p1 =	sne.s32 s16, $0x3C0;
	_ =	sdelay $0x4  }
0x2f: {  	v1 =	vshll.u32 v0, $0x3  }
0x30: {  	vm2 =	veq.s32 v0, $0x80000000;
	v0 =	vshll.u32 v0, $0x15;
	v1 =	vand.u32 $0x1FFF80, v1  }
0x31: {  	v0 =	vand.u32 $0x1E00000, v0;
	v1 =	vsel vm2, $0xFFFFFF80, v1  }
0x32: {  	v0 =	vsel vm2, $0xFFE00000, v0;
	v2 =	vand.u32 $0xFFFFFC00, v1  }
0x33: {  	v1 =	vand.u32 $0x380, v1;
	v0 =	vadd.s32 v0, v2  }
0x34: {  	v0 =	vor.u32 v1, v0  }
0x35: {  	v0 =	vshrl.u32 v0, $0x3;
	_ =	sdelay $0x3  }
.Ltmp3:
0x36: {  	s17 =	sshra.s32 s16, $0x2;
	s15 =	sadd.s32 $0x800, s15;
	(pc) =	sbr.rel @p1 .LBB2_3-.Ltmp3, $4  }
0x37: {  	[tilespmem:s15], [sflag:$0x1] =	stream.indirect_vreg.gather [hbm:s2], $0x80, v0, vm0, $0x38;
	[tilespmem:$0x10200] =	vst v63  }
0x38: {  	s17 =	sadd.s32 s17, s14;
	s18 =	sadd.s32 $0x400, s15  }
0x39: {  	[tilespmem:s18], [sflag:$0x1] =	stream.indirect_vreg.gather [hbm:s2], $0x80, v0, vm1, $0x38;
	[tilespmem:$0x10200] =	vst v63  }
0x3a: {  	s16 =	sadd.s32 $0x40, s16;
	v0 =	vld.msk [tilespmem:s17+$0x0 ss:$0x1], $0xffff  }
0x3b: {  	_ =	sdelay $0x3  }
0x3c: {  	v1 =	vshll.u32 v0, $0x3  }
0x3d: {  	vm2 =	veq.s32 v0, $0x80000000;
	v63 =	vshll.u32 v0, $0x15;
	v1 =	vand.u32 $0x1FFF80, v1  }
0x3e: {  	v0 =	vand.u32 $0x1E00000, v63;
	v1 =	vsel vm2, $0xFFFFFF80, v1  }
0x3f: {  	v0 =	vsel vm2, $0xFFE00000, v0;
	v2 =	vand.u32 $0xFFFFFC00, v1  }
0x40: {  	v1 =	vand.u32 $0x380, v1;
	v0 =	vadd.s32 v0, v2  }
0x41: {  	v0 =	vor.u32 v1, v0  }
0x42: {  	v0 =	vshrl.u32 v0, $0x3;
	_ =	sdelay $0x3  }
0x43: {  	s14 =	sadd.s32 $0x800, s15  }
0x44: {  	[tilespmem:s14], [sflag:$0x1] =	stream.indirect_vreg.gather [hbm:s2], $0x80, v0, vm0, $0x38;
	[tilespmem:$0x10200] =	vst v63  }
0x45: {  	s14 =	sadd.s32 $0x400, s14  }
0x46: {  	[tilespmem:s14], [sflag:$0x1] =	stream.indirect_vreg.gather [hbm:s2], $0x80, v0, vm1, $0x38;
	[tilespmem:$0x10200] =	vst v63  }
0x47: {  	s11 =	sshll.u32 s11, $0x4;
	_ =	swait.ge [sflag:s4], $0x8000  }
0x48: {  	s11 =	sadd.s32 s11, s7;
	[sflag:s4] =	ssyncset.done $0x0  }
0x49: {  	s15 =	sadd.s32 $0x0, s11;
	s14 =	simm.s32 $0x80;
	[sflag:s4] =	ssyncadd.s32 $0xFFFF8000  }
.LBB2_5:
0x4a: {  	[hbm:s15] =	stream.linear.scatter [tilespmem:s12], [sflag:$0x3], $0x400, $0x38;
	[tilespmem:$0x10200] =	vst v63  }
0x4b: {  	s15 =	smov.u32 s14;
	s12 =	smov.u32 s13;
	p1 =	sne.s32 s14, $0xF80  }
.Ltmp4:
0x4c: {  	s14 =	sadd.s32 $0x80, s14;
	(pc) =	sbr.rel @p1 .LBB2_5-.Ltmp4, $2  }
0x4d: {  	_ =	sdelay $0x2  }
0x4e: {  	s13 =	sadd.s32 $0x400, s13;
	s15 =	sadd.s32 s15, s11  }
.Ltmp5:
0x4f: {  	(pc) =	sbr.rel .LBB2_7-.Ltmp5, $2  }
0x50: {  	_ =	sdelay $0x2  }
0x51: {  	[hbm:s15] =	stream.linear.scatter [tilespmem:s12], [sflag:$0x3], $0x400, $0x38;
	[tilespmem:$0x10200] =	vst v63  }
.LBB2_8:
0x52: {  	_ =	sfence.sel $0x180000  }
0x53: {  	s2 =	simm.s32 $0x2;
	[bflag:$0x0] =	sbarrier.arrive $0xFFFF  }
0x54: {  	s30 =	simm.s32 $0x3;
	[sflag:s2] =	ssyncpa.u1 $0x1  }
0x55: {  	s31 =	simm.s32 $0x1;
	[sflag:s30] =	ssyncpa.u1 $0x1  }
0x56: {  	[sflag:s31] =	ssyncpa.u1 $0x1  }
0x57: {  	p0 =	sne.s32 s1, $0x0;
	_ =	strace $0x9000004D  }
0x58: {  	s0 =	sadd.s32 @!p0 $0x100000, s0;
	[bflag:$0x2] =	sbarrier.arrive $0xFFFF  }
0x59: {  	[sflag:s0] =	ssyncadd.tile.s32 @!p0 $0x1;
	_ =	shalt  }
.Lfunc_end2:
_tile_overlayer_lowered:
.L_overlay_start_2:
0x5a: {  	(tag) =	ssettag $0x2  }
0x5b: {  	s0 =	rddreg [dreg:$0x0];
	s2 =	stileid.u32  }
0x5c: {  	s1 =	rddreg [dreg:$0x1];
	p0 =	sne.s32 s2, $0x0  }
0x5d: {  	s3 =	rddreg [dreg:$0x2];
	[bflag:$0x3] =	sbarrier.arrive $0xFFFF;
	s2 =	simm.s32 @!p0 $0x1C01  }
0x5e: {  	[timem:s3], [sflag:s2] =	dma.local @!p0 [hbm:s0], s1  }
0x5f: {  	s0 =	simm.s32 @!p0 $0x1  }
0x60: {  	_ =	swait.ge @!p0 [sflag:s0], s1  }
0x61: {  	s1 =	ssub.s32 @!p0 $0x0, s1;
	[sflag:s0] =	ssyncset.done @!p0 $0x0  }
0x62: {  	[sflag:s0] =	ssyncadd.s32 @!p0 s1  }
0x63: {  	[bflag:$0x3] =	sbarrier.arrive $0xFFFF  }
0x64: {  	_ =	shalt  }

// kernel: gather_offload_async_start
scs
__scs_entry_jumppad:
0x0: {  	(pc) =	sbr.rel $0x88, $3  }
0x1: {  	(tag) =	ssettag $0x0;
	lr =	simm.s32 $0x1  }
0x2: {  	[smem:$0x3F6F] =	sst lr;
	_ =	strace $0xD0000000  }
0x3: {  	_ = 	snop  }
0x4: {  	_ = 	snop  }
0x5: {  	_ = 	snop  }
0x6: {  	_ = 	snop  }
0x7: {  	_ = 	snop  }
__scs_overlays_trampoline_lowered:
0x8: {  	[smem:$0x3F7E] =	sst s0  }
0x9: {  	[smem:$0x3F7F] =	sst s1  }
0xa: {  	[smem:$0x3F80] =	sst s2  }
0xb: {  	[smem:$0x3F81] =	sst s3  }
0xc: {  	[smem:$0x3F82] =	sst s4  }
0xd: {  	[smem:$0x3F83] =	sst s5  }
0xe: {  	[smem:$0x3F84] =	sst s6  }
0xf: {  	[smem:$0x3F85] =	sst s7  }
0x10: {  	[smem:$0x3F86] =	sst s8  }
0x11: {  	[smem:$0x3F87] =	sst s9;
	s0 =	simm.s32 @!p0 $0x0  }
0x12: {  	s1 =	sld [smem:$0x3F6D];
	s0 =	simm.s32 @p0 $0x1  }
0x13: {  	[smem:$0x3F88] =	sst s0;
	s0 =	simm.s32 @!p1 $0x0  }
0x14: {  	s2 =	sld [smem:$0x3F6C];
	s0 =	simm.s32 @p1 $0x1  }
0x15: {  	[smem:$0x3F89] =	sst s0;
	s0 =	simm.s32 @!p2 $0x0  }
0x16: {  	s3 =	sld [smem:$0x3FDB];
	s0 =	simm.s32 @p2 $0x1  }
0x17: {  	s4 =	simm.s32 $0x1BF5;
	[smem:$0x3F8B] =	sst s0  }
0x18: {  	s0 =	sld [smem:$0x3F6E];
	_ =	swait.ge [sflag:s4], $0x0  }
0x19: {  	s7 =	sld [smem:$0x3F6F]  }
0x1a: {  	s8 =	sadd.s32 $0xFFFFE003, lr  }
0x1b: {  	s9 =	sadd.s32 $0xFFFFFEF7, lr;
	s5 =	simm.s32 $0xFFFFFFFF;
	p2 =	slt.u32 s8, $0xFFFFF086  }
0x1c: {  	p1 =	slt.u32 s9, $0xF7A;
	s5 =	simm.s32 @!p2 $0x0  }
0x1d: {  	s5 =	simm.s32 @p1 $0x1;
	p0 =	seq.s32 s7, s2  }
0x1e: {  	s7 =	smul.u32 @!p0 $0xF7A, s2;
	p2 =	seq.s32 @!p0 s5, $0x0  }
0x1f: {  	s9 =	smul.u32 $0xF7A, s1;
	s8 =	simm.s32 @!p0 $0x1BF5;
	p2 =	por !p2, p0  }
0x20: {  	[sflag:s8] =	ssyncset.s32 @!p0 $0xFFFFF086;
	s6 =	sadd.s32 @!p0 s3, s7;
	s7 =	simm.s32 @!p0 $0x108  }
0x21: {  	s3 =	sadd.s32 s3, s9;
	s6 =	sadd.s32 @!p0 $0x88, s6;
	s7 =	simm.s32 @p2 $0x1082  }
0x22: {  	[simem:s7], [sflag:s8] =	dma.local @!p0 [hbm:s6], $0xF7A  }
0x23: {  	s9 =	sor.u32 $0xD0000000, s2;
	s6 =	simm.s32 $0x108;
	_ =	swait.ge @!p0 [sflag:s8], $0x0  }
0x24: {  	s3 =	sadd.s32 $0x88, s3;
	s6 =	simm.s32 @!p1 $0x1082;
	[sflag:s4] =	ssyncset.s32 $0xFFFFF086  }
0x25: {  	[simem:s6], [sflag:s4] =	dma.local [hbm:s3], $0xF7A  }
0x26: {  	[smem:$0x3F6F] =	sst s1;
	(tag) =	ssettag s2;
	_ =	strace s9  }
0x27: {  	s1 =	sld [smem:$0x3F7F]  }
0x28: {  	s2 =	sld [smem:$0x3F80]  }
0x29: {  	s4 =	sld [smem:$0x3F82]  }
0x2a: {  	p0 =	seq.s32 s5, $0x0;
	s5 =	sld [smem:$0x3F83]  }
0x2b: {  	s6 =	sld [smem:$0x3F84]  }
0x2c: {  	s7 =	sld [smem:$0x3F85]  }
0x2d: {  	s3 =	simm.s32 $0x108;
	s8 =	sld [smem:$0x3F86]  }
0x2e: {  	s3 =	simm.s32 @!p0 $0x1082;
	s9 =	sld [smem:$0x3F87]  }
0x2f: {  	lr =	sadd.s32 s0, s3;
	s0 =	sld [smem:$0x3F7E]  }
0x30: {  	s3 =	sld [smem:$0x3F81]  }
0x31: {  	[smem:$0x3F8A] =	sst s10  }
0x32: {  	s10 =	sld [smem:$0x3F88];
	_ =	sdelay $0x3  }
0x33: {  	p0 =	seq.s32 s10, $0x1;
	s10 =	sld [smem:$0x3F8A];
	_ =	sdelay $0x3  }
0x34: {  	[smem:$0x3F8A] =	sst s10  }
0x35: {  	s10 =	sld [smem:$0x3F89];
	_ =	sdelay $0x3  }
0x36: {  	p1 =	seq.s32 s10, $0x1;
	s10 =	sld [smem:$0x3F8A];
	_ =	sdelay $0x3  }
0x37: {  	[smem:$0x3F8A] =	sst s10  }
0x38: {  	s10 =	sld [smem:$0x3F8B]  }
0x39: {  	_ = 	snop;
	(pc) =	sbr.ind lr, $3  }
0x3a: {  	_ = 	snop  }
0x3b: {  	_ = 	snop  }
0x3c: {  	p2 =	seq.s32 s10, $0x1;
	s10 =	sld [smem:$0x3F8A]  }
0x3d: {  	_ =	shalt  }
0x3e: {  	_ =	shalt  }
0x3f: {  	_ =	shalt  }
0x40: {  	_ =	shalt  }
0x41: {  	_ =	shalt  }
0x42: {  	_ =	shalt  }
0x43: {  	_ =	shalt  }
0x44: {  	_ =	shalt  }
0x45: {  	_ =	shalt  }
0x46: {  	_ =	shalt  }
0x47: {  	_ =	shalt  }
0x48: {  	_ =	shalt  }
0x49: {  	_ =	shalt  }
0x4a: {  	_ =	shalt  }
0x4b: {  	_ =	shalt  }
0x4c: {  	_ =	shalt  }
0x4d: {  	_ =	shalt  }
0x4e: {  	_ =	shalt  }
0x4f: {  	_ =	shalt  }
0x50: {  	_ =	shalt  }
0x51: {  	_ =	shalt  }
0x52: {  	_ =	shalt  }
0x53: {  	_ =	shalt  }
0x54: {  	_ =	shalt  }
0x55: {  	_ =	shalt  }
0x56: {  	_ =	shalt  }
0x57: {  	_ =	shalt  }
0x58: {  	_ =	shalt  }
0x59: {  	_ =	shalt  }
0x5a: {  	_ =	shalt  }
0x5b: {  	_ =	shalt  }
0x5c: {  	_ =	shalt  }
0x5d: {  	_ =	shalt  }
0x5e: {  	_ =	shalt  }
0x5f: {  	_ =	shalt  }
0x60: {  	_ =	shalt  }
0x61: {  	_ =	shalt  }
0x62: {  	_ =	shalt  }
0x63: {  	_ =	shalt  }
0x64: {  	_ =	shalt  }
0x65: {  	_ =	shalt  }
0x66: {  	_ =	shalt  }
0x67: {  	_ =	shalt  }
0x68: {  	_ =	shalt  }
0x69: {  	_ =	shalt  }
0x6a: {  	_ =	shalt  }
0x6b: {  	_ =	shalt  }
0x6c: {  	_ =	shalt  }
0x6d: {  	_ =	shalt  }
0x6e: {  	_ =	shalt  }
0x6f: {  	_ =	shalt  }
0x70: {  	_ =	shalt  }
0x71: {  	_ =	shalt  }
0x72: {  	_ =	shalt  }
0x73: {  	_ =	shalt  }
0x74: {  	_ =	shalt  }
0x75: {  	_ =	shalt  }
0x76: {  	_ =	shalt  }
0x77: {  	_ =	shalt  }
0x78: {  	_ =	shalt  }
0x79: {  	_ =	shalt  }
0x7a: {  	_ =	shalt  }
0x7b: {  	_ =	shalt  }
0x7c: {  	_ =	shalt  }
0x7d: {  	_ =	shalt  }
0x7e: {  	_ =	shalt  }
0x7f: {  	_ =	shalt  }
0x80: {  	_ =	shalt  }
0x81: {  	_ =	shalt  }
0x82: {  	_ =	shalt  }
0x83: {  	_ =	shalt  }
0x84: {  	_ =	shalt  }
0x85: {  	_ =	shalt  }
0x86: {  	_ =	shalt  }
0x87: {  	_ =	shalt  }
.Lfunc_end0:
.L_simem_size_0:
called_computation_lowered:
.L_overlay_start_0:
0x88: {  	s2 =	sld [smem:$0x3FD9]  }
0x89: {  	s3 =	sld [smem:$0x3FFE];
	_ =	sdelay $0x1  }
0x8a: {  	s1 =	srdreg.scid  }
0x8b: {  	s0 =	sand.u32 $0x1, s1  }
0x8c: {  	s17 =	sshll.u32 s0, $0xA;
	s2 =	sadd.s32 s3, s2  }
0x8d: {  	s2 =	sadd.s32 s2, s17  }
0x8e: {  	[smem:$0x3F96] =	sst s2  }
0x8f: {  	_ = 	snop  }
0x90: {  	s18 =	sld [smem:$0x3FC8];
	(tm) =	ssettm $0x1  }
0x91: {  	s19 =	sld [smem:$0x3FFB];
	_ =	sdelay $0x3  }
0x92: {  	_ =	strace s19  }
0x93: {  	s2 =	sld [smem:$0x3FFC];
	_ =	sdelay $0x3  }
0x94: {  	_ =	strace s2  }
0x95: {  	s2 =	sld [smem:$0x3FFD];
	_ =	sdelay $0x3  }
0x96: {  	_ =	strace s2  }
0x97: {  	_ =	strace $0x8FFFFFFF  }
0x98: {  	s20 =	sld [smem:$0x3FDB];
	_ =	sdelay $0x1  }
0x99: {  	s4 =	simm.s32 $_scs_section_size  }
0x9a: {  	s5 =	simm.s32 $_size__tile_overlayer_lowered;
	s6 =	simm.s32 $_tile_overlayer_lowered  }
0x9b: {  	s7 =	simm.s32 $0x1BFF;
	s21 =	sshll.u32 s6, $0x1;
	s4 =	sadd.s32 s4, s20  }
0x9c: {  	s22 =	simm.s32 $0x0;
	s5 =	sshll.u32 s5, $0x1;
	s6 =	sadd.s32 s21, s4  }
0x9d: {  	[timem:s22], [sflag:s7] =	dma.local [hbm:s6], s5  }
0x9e: {  	_ =	swait.ge [sflag:s7], s5  }
0x9f: {  	s5 =	ssub.s32 $0x0, s5;
	[sflag:s7] =	ssyncset.done $0x0  }
0xa0: {  	[sflag:s7] =	ssyncadd.s32 s5;
	_ =	sdelay $0x1  }
0xa1: {  	s23 =	simm.s32 $0x1B8B  }
0xa2: {  	_ =	swait.ge [sflag:s23], $0x1  }
0xa3: {  	[sflag:s23] =	ssyncset.done $0x0  }
0xa4: {  	[sflag:s23] =	ssyncadd.s32 $0xFFFFFFFF  }
0xa5: {  	s5 =	sld [smem:$0x0]  }
0xa6: {  	s6 =	sand.u32 $0xFFFFFFFE, s1  }
0xa7: {  	p0 =	sne.s32 s1, s6  }
0xa8: {  	s6 =	sshll.u32 @p0 s6, $0xE  }
0xa9: {  	s6 =	sadd.s32 @p0 $0x11B8D, s6;
	s7 =	sshll.u32 @p0 s5, $0x11  }
0xaa: {  	s6 =	sor.u32 @p0 s7, s6  }
0xab: {  	[sflag:s6] =	ssyncadd.remote.s32 @p0 $0x1;
	_ =	sdelay $0x1  }
0xac: {  	s6 =	simm.s32 @p0 $0x1B8D  }
0xad: {  	_ =	swait.eq @p0 [sflag:s6], $0x1  }
0xae: {  	[sflag:s6] =	ssyncadd.s32 @p0 $0xFFFFFFFF  }
0xaf: {  	s7 =	sshll.u32 @!p0 s1, $0xE  }
0xb0: {  	s7 =	sor.u32 @!p0 $0x4000, s7;
	s6 =	simm.s32 @!p0 $0x1B8D  }
0xb1: {  	s5 =	sshll.u32 @!p0 s5, $0x11;
	s7 =	sadd.s32 @!p0 $0x11B8D, s7;
	_ =	swait.eq @!p0 [sflag:s6], $0x1  }
0xb2: {  	s5 =	sor.u32 @!p0 s5, s7;
	[sflag:s6] =	ssyncadd.s32 @!p0 $0xFFFFFFFF  }
0xb3: {  	s25 =	simm.s32 $0x1B8E;
	s24 =	sld [smem:$0x3FFE];
	[sflag:s5] =	ssyncadd.remote.s32 @!p0 $0x1  }
0xb4: {  	s26 =	simm.s32 $execute0_lowered;
	[smem:$0x3FD2] =	sst s25  }
0xb5: {  	s6 =	sshll.u32 s26, $0x1;
	_ =	strace $0x8000004F;
	[dreg:$0x1] =	wrdreg $0xFFFFFFFF  }
0xb6: {  	s28 =	simm.s32 $_size_execute0_lowered;
	s4 =	sadd.s32 s4, s6;
	[dreg:$0x0] =	wrdreg $0x0  }
0xb7: {  	s6 =	sshll.u32 s28, $0x1;
	[dreg:$0x2] =	wrdreg s4  }
0xb8: {  	[dreg:$0x3] =	wrdreg s6  }
0xb9: {  	[dreg:$0x4] =	wrdreg $0xC0  }
0xba: {  	_ =	task [dreg:s22], $0x5FFFF  }
0xbb: {  	[dreg:$0x1] =	wrdreg $0xFFFFFFFF  }
0xbc: {  	[dreg:$0x0] =	wrdreg $0x60  }
0xbd: {  	[dreg:$0x2] =	wrdreg s18  }
0xbe: {  	[dreg:$0x3] =	wrdreg s24  }
0xbf: {  	[dreg:$0x4] =	wrdreg $0x9  }
0xc0: {  	_ =	task.clear_ibuf [dreg:s22], $0x5FFFF;
	_ =	strace $0x9000004F  }
0xc1: {  	s29 =	simm.s32 $0x9;
	_ =	strace $0x80000051  }
0xc2: {  	_ =	swait.ge [sflag:s29], $0x1  }
0xc3: {  	[sflag:s29] =	ssyncadd.s32 $0xFFFFFFFF  }
0xc4: {  	_ =	strace $0x90000051  }
0xc5: {  	_ =	sfence  }
0xc6: {  	s30 =	sld [smem:$0x0];
	_ =	sdelay $0x2  }
0xc7: {  	s31 =	sshll.u32 s1, $0xD;
	s1 =	sshrl.u32 s1, $0x2  }
0xc8: {  	s4 =	sand.u32 $0x4000, s31;
	s1 =	sadd.s32 s1, s30  }
0xc9: {  	s0 =	sor.u32 s4, s0;
	s1 =	sshll.u32 s1, $0x11  }
0xca: {  	s0 =	sor.u32 s1, s0  }
0xcb: {  	s0 =	sadd.s32 $0x8F2B, s0  }
0xcc: {  	[sflag:s0] =	ssyncadd.remote.s32 $0x1  }
0xcd: {  	_ =	sfence.sel $0xFFFF  }
0xce: {  	[dreg:$0x0] =	wrdreg $0xFFFFFFFF;
	(pc) =	sbr.abs _section_cstart, $3  }
0xcf: {  	[dreg:$0x1] =	wrdreg $0xFFFFFFFF  }
0xd0: {  	_ =	task.clear_ibuf [dreg:s22], $0x2FFFF;
	_ =	strace $0x9FFFFFFF  }
0xd1: {  	(tm) =	ssettm $0x7FFFFFFF  }
tec
execute0_lowered:
.L_overlay_start_1:
0x0: {  	(tag) =	ssettag $0x1  }
0x1: {  	s2 =	rddreg [dreg:$0x0]  }
0x2: {  	s7 =	rddreg [dreg:$0x1]  }
0x3: {  	s0 =	rddreg [dreg:$0x2]  }
0x4: {  	s1 =	srdreg.scid;
	_ =	strace $0x80000050;
	s4 =	simm.s32 $0x1  }
0x5: {  	s9 =	simm.s32 $0x3;
	s11 =	simm.s32 $0x0;
	s5 =	sshll.u32 s1, $0x4  }
.Ltmp0:
0x6: {  	s1 =	stileid.u32;
	s5 =	sand.u32 $0x10, s5;
	(pc) =	sbr.rel .LBB2_1-.Ltmp0, $4  }
0x7: {  	p0 =	por $0x0, $0x0;
	s3 =	sadd.s32 $0x412400, s7;
	s6 =	sor.u32 s1, s5  }
0x8: {  	[sflag:s4] =	ssyncpa.u1 $0x0;
	s5 =	simm.s32 $0x2;
	s6 =	sshll.u32 s6, $0x9  }
0x9: {  	s7 =	sadd.s32 $0x6D6C00, s7;
	[sflag:s5] =	ssyncpa.u1 $0x0;
	s8 =	sadd.s32 $0x200, s6  }
0xa: {  	vm0 =	vmmov $0xff;
	vm1 =	vcmask $0x3F20;
	[sflag:s9] =	ssyncpa.u1 $0x0;
	s10 =	smov.u32 s6;
	s9 =	simm.s32 $0x0  }
.LBB2_7:
0xb: {  	p1 =	slt.u32 s9, $0x2;
	s11 =	sadd.s32 $0x100, s10  }
0xc: {  	s13 =	smov.u32 s6;
	s9 =	sadd.s32 $0x1, s9;
	p2 =	slt.s32 s11, s8  }
0xd: {  	s13 =	smov.u32 @p2 s11;
	p2 =	sne.s32 s9, $0x4  }
.Ltmp1:
0xe: {  	_ = 	snop;
	(pc) =	sbr.rel @!p2 .LBB2_8-.Ltmp1, $4  }
0xf: {  	s12 =	simm.s32 @!p1 $0x3  }
0x10: {  	_ =	swait.ge @!p1 [sflag:s12], $0x8000  }
0x11: {  	p0 =	por !p0, !p0;
	[sflag:s12] =	ssyncset.done @!p1 $0x0  }
0x12: {  	s11 =	smov.u32 s10;
	s10 =	smov.u32 s13;
	[sflag:s12] =	ssyncadd.s32 @!p1 $0xFFFF8000  }
.LBB2_1:
0x13: {  	p1 =	sgt.u32 s9, $0x1  }
0x14: {  	s12 =	sshll.u32 @!p1 s9, $0x8;
	s13 =	sshrl.u32 @!p1 s10, $0x3  }
0x15: {  	s14 =	sand.u32 @!p1 $0x7, s10;
	s12 =	sxor.u32 @!p1 $0x100, s12;
	s13 =	sadd.s32 @!p1 s3, s13  }
0x16: {  	[tilespmem:s12], [sflag:$0x2] =	stream.linear.gather @!p1 [hbm4b:s13+s14], $0x100, $0x38;
	[tilespmem:$0x10200] =	vst v63  }
0x17: {  	p1 =	seq.s32 s9, $0x0  }
0x18: {  	p2 =	seq.s32 @!p1 s9, $0x3  }
0x19: {  	p1 =	por p1, p2  }
.Ltmp2:
0x1a: {  	_ = 	snop;
	(pc) =	sbr.rel @p1 .LBB2_7-.Ltmp2, $1  }
0x1b: {  	_ =	sdelay $0x3  }
0x1c: {  	s12 =	simm.s32 $0x1  }
0x1d: {  	_ =	swait.ge [sflag:s5], $0x100;
	s12 =	simm.s32 @!p0 $0x0  }
0x1e: {  	[sflag:s5] =	ssyncset.done $0x0;
	s14 =	sshll.u32 s12, $0x8  }
0x1f: {  	[sflag:s5] =	ssyncadd.s32 $0xFFFFFF00;
	s13 =	sadd.s32 $0x0, s14  }
0x20: {  	v0 =	vld.msk [tilespmem:s13+$0x0 ss:$0x1], $0xffff;
	_ =	sdelay $0x4  }
0x21: {  	v1 =	vshll.u32 v0, $0x3  }
0x22: {  	vm2 =	veq.s32 v0, $0x80000000;
	v0 =	vshll.u32 v0, $0x15;
	v1 =	vand.u32 $0x1FFF80, v1  }
0x23: {  	v0 =	vand.u32 $0x1E00000, v0;
	v1 =	vsel vm2, $0xFFFFFF80, v1  }
0x24: {  	v0 =	vsel vm2, $0xFFE00000, v0;
	v2 =	vand.u32 $0xFFFFFC00, v1  }
0x25: {  	v1 =	vand.u32 $0x380, v1;
	v0 =	vadd.s32 v0, v2  }
0x26: {  	v0 =	vor.u32 v1, v0  }
0x27: {  	v0 =	vshrl.u32 v0, $0x3;
	_ =	sdelay $0x2  }
0x28: {  	s12 =	sshll.u32 s12, $0xF  }
0x29: {  	s12 =	sor.u32 $0x200, s12  }
0x2a: {  	[tilespmem:s12], [sflag:$0x1] =	stream.indirect_vreg.gather [hbm:s2], $0x80, v0, vm0, $0x38;
	[tilespmem:$0x10200] =	vst v63  }
0x2b: {  	s15 =	sadd.s32 $0x10, s14;
	s13 =	sadd.s32 $0x400, s12  }
0x2c: {  	[tilespmem:s13], [sflag:$0x1] =	stream.indirect_vreg.gather [hbm:s2], $0x80, v0, vm1, $0x38;
	[tilespmem:$0x10200] =	vst v63  }
0x2d: {  	s16 =	simm.s32 $0x80;
	v0 =	vld.msk [tilespmem:s15+$0x0 ss:$0x1], $0xffff;
	s15 =	smov.u32 s12  }
.LBB2_3:
0x2e: {  	p1 =	sne.s32 s16, $0x3C0;
	_ =	sdelay $0x4  }
0x2f: {  	v1 =	vshll.u32 v0, $0x3  }
0x30: {  	vm2 =	veq.s32 v0, $0x80000000;
	v0 =	vshll.u32 v0, $0x15;
	v1 =	vand.u32 $0x1FFF80, v1  }
0x31: {  	v0 =	vand.u32 $0x1E00000, v0;
	v1 =	vsel vm2, $0xFFFFFF80, v1  }
0x32: {  	v0 =	vsel vm2, $0xFFE00000, v0;
	v2 =	vand.u32 $0xFFFFFC00, v1  }
0x33: {  	v1 =	vand.u32 $0x380, v1;
	v0 =	vadd.s32 v0, v2  }
0x34: {  	v0 =	vor.u32 v1, v0  }
0x35: {  	v0 =	vshrl.u32 v0, $0x3;
	_ =	sdelay $0x3  }
.Ltmp3:
0x36: {  	s17 =	sshra.s32 s16, $0x2;
	s15 =	sadd.s32 $0x800, s15;
	(pc) =	sbr.rel @p1 .LBB2_3-.Ltmp3, $4  }
0x37: {  	[tilespmem:s15], [sflag:$0x1] =	stream.indirect_vreg.gather [hbm:s2], $0x80, v0, vm0, $0x38;
	[tilespmem:$0x10200] =	vst v63  }
0x38: {  	s17 =	sadd.s32 s17, s14;
	s18 =	sadd.s32 $0x400, s15  }
0x39: {  	[tilespmem:s18], [sflag:$0x1] =	stream.indirect_vreg.gather [hbm:s2], $0x80, v0, vm1, $0x38;
	[tilespmem:$0x10200] =	vst v63  }
0x3a: {  	s16 =	sadd.s32 $0x40, s16;
	v0 =	vld.msk [tilespmem:s17+$0x0 ss:$0x1], $0xffff  }
0x3b: {  	_ =	sdelay $0x3  }
0x3c: {  	v1 =	vshll.u32 v0, $0x3  }
0x3d: {  	vm2 =	veq.s32 v0, $0x80000000;
	v63 =	vshll.u32 v0, $0x15;
	v1 =	vand.u32 $0x1FFF80, v1  }
0x3e: {  	v0 =	vand.u32 $0x1E00000, v63;
	v1 =	vsel vm2, $0xFFFFFF80, v1  }
0x3f: {  	v0 =	vsel vm2, $0xFFE00000, v0;
	v2 =	vand.u32 $0xFFFFFC00, v1  }
0x40: {  	v1 =	vand.u32 $0x380, v1;
	v0 =	vadd.s32 v0, v2  }
0x41: {  	v0 =	vor.u32 v1, v0  }
0x42: {  	v0 =	vshrl.u32 v0, $0x3;
	_ =	sdelay $0x3  }
0x43: {  	s14 =	sadd.s32 $0x800, s15  }
0x44: {  	[tilespmem:s14], [sflag:$0x1] =	stream.indirect_vreg.gather [hbm:s2], $0x80, v0, vm0, $0x38;
	[tilespmem:$0x10200] =	vst v63  }
0x45: {  	s14 =	sadd.s32 $0x400, s14  }
0x46: {  	[tilespmem:s14], [sflag:$0x1] =	stream.indirect_vreg.gather [hbm:s2], $0x80, v0, vm1, $0x38;
	[tilespmem:$0x10200] =	vst v63  }
0x47: {  	s11 =	sshll.u32 s11, $0x4;
	_ =	swait.ge [sflag:s4], $0x8000  }
0x48: {  	s11 =	sadd.s32 s11, s7;
	[sflag:s4] =	ssyncset.done $0x0  }
0x49: {  	s15 =	sadd.s32 $0x0, s11;
	s14 =	simm.s32 $0x80;
	[sflag:s4] =	ssyncadd.s32 $0xFFFF8000  }
.LBB2_5:
0x4a: {  	[hbm:s15] =	stream.linear.scatter [tilespmem:s12], [sflag:$0x3], $0x400, $0x38;
	[tilespmem:$0x10200] =	vst v63  }
0x4b: {  	s15 =	smov.u32 s14;
	s12 =	smov.u32 s13;
	p1 =	sne.s32 s14, $0xF80  }
.Ltmp4:
0x4c: {  	s14 =	sadd.s32 $0x80, s14;
	(pc) =	sbr.rel @p1 .LBB2_5-.Ltmp4, $2  }
0x4d: {  	_ =	sdelay $0x2  }
0x4e: {  	s13 =	sadd.s32 $0x400, s13;
	s15 =	sadd.s32 s15, s11  }
.Ltmp5:
0x4f: {  	(pc) =	sbr.rel .LBB2_7-.Ltmp5, $2  }
0x50: {  	_ =	sdelay $0x2  }
0x51: {  	[hbm:s15] =	stream.linear.scatter [tilespmem:s12], [sflag:$0x3], $0x400, $0x38;
	[tilespmem:$0x10200] =	vst v63  }
.LBB2_8:
0x52: {  	_ =	sfence.sel $0x180000  }
0x53: {  	s2 =	simm.s32 $0x2;
	[bflag:$0x0] =	sbarrier.arrive $0xFFFF  }
0x54: {  	s30 =	simm.s32 $0x3;
	[sflag:s2] =	ssyncpa.u1 $0x1  }
0x55: {  	s31 =	simm.s32 $0x1;
	[sflag:s30] =	ssyncpa.u1 $0x1  }
0x56: {  	[sflag:s31] =	ssyncpa.u1 $0x1  }
0x57: {  	p0 =	sne.s32 s1, $0x0;
	_ =	strace $0x90000050  }
0x58: {  	s0 =	sadd.s32 @!p0 $0x100000, s0;
	[bflag:$0x2] =	sbarrier.arrive $0xFFFF  }
0x59: {  	[sflag:s0] =	ssyncadd.tile.s32 @!p0 $0x1;
	_ =	shalt  }
.Lfunc_end2:
_tile_overlayer_lowered:
.L_overlay_start_2:
0x5a: {  	(tag) =	ssettag $0x2  }
0x5b: {  	s0 =	rddreg [dreg:$0x0];
	s2 =	stileid.u32  }
0x5c: {  	s1 =	rddreg [dreg:$0x1];
	p0 =	sne.s32 s2, $0x0  }
0x5d: {  	s3 =	rddreg [dreg:$0x2];
	[bflag:$0x3] =	sbarrier.arrive $0xFFFF;
	s2 =	simm.s32 @!p0 $0x1C01  }
0x5e: {  	[timem:s3], [sflag:s2] =	dma.local @!p0 [hbm:s0], s1  }
0x5f: {  	s0 =	simm.s32 @!p0 $0x1  }
0x60: {  	_ =	swait.ge @!p0 [sflag:s0], s1  }
0x61: {  	s1 =	ssub.s32 @!p0 $0x0, s1;
	[sflag:s0] =	ssyncset.done @!p0 $0x0  }
0x62: {  	[sflag:s0] =	ssyncadd.s32 @!p0 s1  }
0x63: {  	[bflag:$0x3] =	sbarrier.arrive $0xFFFF  }
0x64: {  	_ =	shalt  }

</sc_bundles>
